<compile_context>
chip_gen: v7x
topology: tpu7x:2x2x1
jax: 0.10.2.dev20260603
libtpu: 0.0.44.dev20260713+nightly
codegen_flags: <defaults>
</compile_context>

<pallas_src>
import functools

import jax
import jax.numpy as jnp
from jax import lax
from jax.experimental import pallas as pl
from jax.experimental.pallas import tpu as pltpu
from jax.experimental.pallas import tpu_sc as plsc

_N_ATOMS = 1_000_000
_N_TYPES = 119
_N_PROPS = 128
_N_SYS = 1024

_NC = 2
_NS = 16
_NW = _NC * _NS
_L = 16

_CHUNK = 2048
_NCHUNK = -(-_N_ATOMS // _CHUNK)
_HIST = _N_SYS * 128
_HISTP = _HIST + _CHUNK
_ZBLKS = _HISTP // _CHUNK
_DUMMY = _HIST
_OUT_SLICE = _HIST // _NS


def _hist_body(t2i_hbm, types_hbm, sys_hbm, out_hbm,
               t2i_v, types_v, sys_v, keys_v, ones_v, zeros_v, hist_s):
    c = lax.axis_index("c")
    s = lax.axis_index("s")
    wid = s * _NC + c

    pltpu.sync_copy(t2i_hbm, t2i_v)
    for i in range(8):
        ones_v[pl.ds(i * _L, _L)] = jnp.full((_L,), 1.0, jnp.float32)

    def _zbuf(i, _):
        zeros_v[pl.ds(i * _L, _L)] = jnp.zeros((_L,), jnp.float32)
        return 0
    lax.fori_loop(0, _CHUNK // _L, _zbuf, 0)
    for rep in range(-(-_ZBLKS // _NS)):
        blk = s + rep * _NS

        @pl.when(blk < _ZBLKS)
        def _():
            pltpu.sync_copy(zeros_v, hist_s.at[pl.ds(blk * _CHUNK, _CHUNK)])
    plsc.subcore_barrier()

    nchunks_w = (_NCHUNK - 1 - wid) // _NW + 1

    def _chunk(k, _):
        cid = wid + k * _NW
        base = jnp.minimum(cid * _CHUNK, _N_ATOMS - _CHUNK)
        start_lane = cid * _CHUNK - base
        pltpu.sync_copy(types_hbm.at[pl.ds(base, _CHUNK)], types_v)
        pltpu.sync_copy(sys_hbm.at[pl.ds(base, _CHUNK)], sys_v)

        def _group(g, _):
            t16 = types_v[pl.ds(g * _L, _L)]
            s16 = sys_v[pl.ds(g * _L, _L)]
            r16 = plsc.load_gather(t2i_v, [t16])
            key = jnp.bitwise_or(lax.shift_left(s16, 7), r16)
            lane = g * _L + lax.iota(jnp.int32, 16)
            key = jnp.where(lane >= start_lane, key, _DUMMY)
            row = lax.shift_right_logical(g, 3)
            col = lax.shift_left(jnp.bitwise_and(g, 7), 4)
            keys_v[row, pl.ds(col, _L)] = key
            return 0
        lax.fori_loop(0, _CHUNK // _L, _group, 0)

        for j in range(_CHUNK // 128):
            pltpu.sync_copy(ones_v, hist_s.at[keys_v.at[j]], add=True)
        return 0
    lax.fori_loop(0, nchunks_w, _chunk, 0)

    plsc.subcore_barrier()
    pltpu.sync_copy(hist_s.at[pl.ds(s * _OUT_SLICE, _OUT_SLICE)],
                    out_hbm.at[c, s])


_hist_kernel = functools.partial(
    pl.kernel,
    out_type=jax.ShapeDtypeStruct((_NC, _NS, _OUT_SLICE), jnp.float32),
    mesh=plsc.VectorSubcoreMesh(
        core_axis_name="c", subcore_axis_name="s",
        num_cores=_NC, num_subcores=_NS),
    scratch_types=[
        pltpu.VMEM((128,), jnp.int32),
        pltpu.VMEM((_CHUNK,), jnp.int32),
        pltpu.VMEM((_CHUNK,), jnp.int32),
        pltpu.VMEM((_CHUNK // 128, 128), jnp.int32),
        pltpu.VMEM((128,), jnp.float32),
        pltpu.VMEM((_CHUNK,), jnp.float32),
        pltpu.VMEM_SHARED((_HISTP,), jnp.float32),
    ],
    compiler_params=pltpu.CompilerParams(needs_layout_passes=False),
)(_hist_body)


def _mm_body(h_ref, w_ref, o_ref):
    counts = h_ref[0] + h_ref[1]
    o_ref[...] = jnp.dot(counts, w_ref[...], preferred_element_type=jnp.float32)


def _mm(hist2, w_pad):
    return pl.pallas_call(
        _mm_body,
        out_shape=jax.ShapeDtypeStruct((_N_SYS, _N_PROPS), jnp.float32),
    )(hist2, w_pad)


def kernel(weights, types, system_indices, type_to_index):
    t2i_pad = jnp.zeros((128,), jnp.int32).at[:_N_TYPES].set(type_to_index)
    w_pad = jnp.zeros((128, _N_PROPS), jnp.float32).at[:_N_TYPES].set(weights)
    hist = _hist_kernel(t2i_pad, types, system_indices)
    return _mm(hist.reshape(_NC, _N_SYS, 128), w_pad)

# --- scband reference (transcript-rebuilt; emitter-appended) ---
"""Pipeline reference for scband-base-composition-model-32530082300273 (READ-ONLY COPY).

The authoritative reference and input builder live on the scoring server;
editing this copy changes nothing except your own understanding.
"""

import jax, jax.numpy as jnp
import numpy as np

N_ATOMS = 1000000
N_TYPES = 119
N_PROPS = 128
N_SYSTEMS = 1024


def setup_inputs(seed: int = 0) -> dict:
    key = jax.random.key(seed)
    k1, k2, k3 = jax.random.split(key, 3)
    # atom types for every atom in the batch of systems (values must lie in atomic_types)
    types = jax.random.randint(k1, (N_ATOMS,), 0, N_TYPES, dtype=jnp.int32)
    # which system each atom belongs to (sorted, like concatenated systems)
    system_indices = jnp.sort(jax.random.randint(k2, (N_ATOMS,), 0, N_SYSTEMS, dtype=jnp.int32))
    # fitted composition weights: one row per atomic type (the 'embedding table')
    weights = jax.random.normal(k3, (N_TYPES, N_PROPS), dtype=jnp.float32) * 0.05
    # type -> row-index lookup buffer (identity here since atomic_types = 0..118)
    atomic_types = jnp.arange(N_TYPES, dtype=jnp.int32)
    type_to_index = jnp.zeros((N_TYPES,), dtype=jnp.int32).at[atomic_types].set(
        jnp.arange(N_TYPES, dtype=jnp.int32)
    )
    return {
        "weights": weights,
        "types": types,
        "system_indices": system_indices,
        "type_to_index": type_to_index,
    }


def reference(weights, types, system_indices, type_to_index):
    # composition model forward: per-atom prediction is an embedding lookup of the
    # fitted weight row for that atom's chemical type, then (for 'per_structure'
    # targets like energy) summed over atoms of each system.
    idx = jnp.take(type_to_index, types, axis=0)          # gather: type -> row index
    per_atom = jnp.take(weights, idx, axis=0)             # embedding lookup [N_ATOMS, N_PROPS]
    per_structure = jax.ops.segment_sum(
        per_atom, system_indices, num_segments=N_SYSTEMS
    )                                                      # [N_SYSTEMS, N_PROPS]
    return per_structure

if __name__ == "__main__":
    import jax
    _d = setup_inputs()
    print(jax.jit(kernel)(*tuple(_d.values())))

</pallas_src>

<mosaic_0001>
#map = affine_map<(d0, d1) -> (0)>
#map1 = affine_map<(d0, d1) -> (0, 0, 0)>
module attributes {stable_mosaic.version = 14 : i64} {
  func.func @_hist_body(%arg0: i32, %arg1: i32, %arg2: memref<128xi32, #tpu.memory_space<hbm>>, %arg3: memref<1000000xi32, #tpu.memory_space<hbm>>, %arg4: memref<1000000xi32, #tpu.memory_space<hbm>>, %arg5: memref<2x16x8192xf32, #tpu.memory_space<hbm>>, %arg6: memref<128xi32, #tpu.memory_space<vmem>>, %arg7: memref<2048xi32, #tpu.memory_space<vmem>>, %arg8: memref<2048xi32, #tpu.memory_space<vmem>>, %arg9: memref<16x128xi32, #tpu.memory_space<vmem>>, %arg10: memref<128xf32, #tpu.memory_space<vmem>>, %arg11: memref<2048xf32, #tpu.memory_space<vmem>>, %arg12: memref<133120xf32, #tpu.memory_space<vmem_shared>>) attributes {dimension_semantics = [#tpu.dimension_semantics<core_parallel>, #tpu.dimension_semantics<subcore_parallel>], iteration_bounds = array<i64: 2, 16>, scalar_prefetch = 0 : i64, scratch_operands = 7 : i64, tpu.core_type = #tpu.core_type<sc_vector_subcore>, window_params = [{transform_indices = #map}, {transform_indices = #map}, {transform_indices = #map}, {transform_indices = #map1}]} {
    %mul3A = arith.constant 2 : i32
    %mul3A_0 = arith.muli %arg1, %mul3A : i32
    %add3A = arith.addi %mul3A_0, %arg0 : i32
    "tpu.region"() ({
      %run_scoped3A = tpu.sem_alloc : memref<!tpu.dma_semaphore, #tpu.memory_space<semaphore_mem>>
      tpu.enqueue_dma source(%arg2 : memref<128xi32, #tpu.memory_space<hbm>>) target(%arg6 : memref<128xi32, #tpu.memory_space<vmem>>) target_semaphore(%run_scoped3A : memref<!tpu.dma_semaphore, #tpu.memory_space<semaphore_mem>>)
      tpu.wait_dma2 semaphore(%run_scoped3A : memref<!tpu.dma_semaphore, #tpu.memory_space<semaphore_mem>>) src(%arg2 : memref<128xi32, #tpu.memory_space<hbm>>) dst(%arg6 : memref<128xi32, #tpu.memory_space<vmem>>)
      tpu.yield
    }) : () -> ()
    %broadcast_in_dim3A = arith.constant 1.000000e+00 : f32
    %broadcast_in_dim3A_1 = vector.broadcast %broadcast_in_dim3A : f32 to vector<16xf32>
    %swap3A = arith.constant 0 : index
    %swap3A_2 = tpu.vector_load %arg10[%swap3A] {strides = array<i32>} : memref<128xf32, #tpu.memory_space<vmem>>, vector<16xf32>,
    tpu.vector_store %arg10[%swap3A], %broadcast_in_dim3A_1 {strides = array<i32>} : memref<128xf32, #tpu.memory_space<vmem>>, vector<16xf32>,
    %broadcast_in_dim3A_3 = arith.constant 1.000000e+00 : f32
    %broadcast_in_dim3A_4 = vector.broadcast %broadcast_in_dim3A_3 : f32 to vector<16xf32>
    %swap3A_5 = arith.constant 16 : index
    %swap3A_6 = tpu.vector_load %arg10[%swap3A_5] {strides = array<i32>} : memref<128xf32, #tpu.memory_space<vmem>>, vector<16xf32>,
    tpu.vector_store %arg10[%swap3A_5], %broadcast_in_dim3A_4 {strides = array<i32>} : memref<128xf32, #tpu.memory_space<vmem>>, vector<16xf32>,
    %broadcast_in_dim3A_7 = arith.constant 1.000000e+00 : f32
    %broadcast_in_dim3A_8 = vector.broadcast %broadcast_in_dim3A_7 : f32 to vector<16xf32>
    %swap3A_9 = arith.constant 32 : index
    %swap3A_10 = tpu.vector_load %arg10[%swap3A_9] {strides = array<i32>} : memref<128xf32, #tpu.memory_space<vmem>>, vector<16xf32>,
    tpu.vector_store %arg10[%swap3A_9], %broadcast_in_dim3A_8 {strides = array<i32>} : memref<128xf32, #tpu.memory_space<vmem>>, vector<16xf32>,
    %broadcast_in_dim3A_11 = arith.constant 1.000000e+00 : f32
    %broadcast_in_dim3A_12 = vector.broadcast %broadcast_in_dim3A_11 : f32 to vector<16xf32>
    %swap3A_13 = arith.constant 48 : index
    %swap3A_14 = tpu.vector_load %arg10[%swap3A_13] {strides = array<i32>} : memref<128xf32, #tpu.memory_space<vmem>>, vector<16xf32>,
    tpu.vector_store %arg10[%swap3A_13], %broadcast_in_dim3A_12 {strides = array<i32>} : memref<128xf32, #tpu.memory_space<vmem>>, vector<16xf32>,
    %broadcast_in_dim3A_15 = arith.constant 1.000000e+00 : f32
    %broadcast_in_dim3A_16 = vector.broadcast %broadcast_in_dim3A_15 : f32 to vector<16xf32>
    %swap3A_17 = arith.constant 64 : index
    %swap3A_18 = tpu.vector_load %arg10[%swap3A_17] {strides = array<i32>} : memref<128xf32, #tpu.memory_space<vmem>>, vector<16xf32>,
    tpu.vector_store %arg10[%swap3A_17], %broadcast_in_dim3A_16 {strides = array<i32>} : memref<128xf32, #tpu.memory_space<vmem>>, vector<16xf32>,
    %broadcast_in_dim3A_19 = arith.constant 1.000000e+00 : f32
    %broadcast_in_dim3A_20 = vector.broadcast %broadcast_in_dim3A_19 : f32 to vector<16xf32>
    %swap3A_21 = arith.constant 80 : index
    %swap3A_22 = tpu.vector_load %arg10[%swap3A_21] {strides = array<i32>} : memref<128xf32, #tpu.memory_space<vmem>>, vector<16xf32>,
    tpu.vector_store %arg10[%swap3A_21], %broadcast_in_dim3A_20 {strides = array<i32>} : memref<128xf32, #tpu.memory_space<vmem>>, vector<16xf32>,
    %broadcast_in_dim3A_23 = arith.constant 1.000000e+00 : f32
    %broadcast_in_dim3A_24 = vector.broadcast %broadcast_in_dim3A_23 : f32 to vector<16xf32>
    %swap3A_25 = arith.constant 96 : index
    %swap3A_26 = tpu.vector_load %arg10[%swap3A_25] {strides = array<i32>} : memref<128xf32, #tpu.memory_space<vmem>>, vector<16xf32>,
    tpu.vector_store %arg10[%swap3A_25], %broadcast_in_dim3A_24 {strides = array<i32>} : memref<128xf32, #tpu.memory_space<vmem>>, vector<16xf32>,
    %broadcast_in_dim3A_27 = arith.constant 1.000000e+00 : f32
    %broadcast_in_dim3A_28 = vector.broadcast %broadcast_in_dim3A_27 : f32 to vector<16xf32>
    %swap3A_29 = arith.constant 112 : index
    %swap3A_30 = tpu.vector_load %arg10[%swap3A_29] {strides = array<i32>} : memref<128xf32, #tpu.memory_space<vmem>>, vector<16xf32>,
    tpu.vector_store %arg10[%swap3A_29], %broadcast_in_dim3A_28 {strides = array<i32>} : memref<128xf32, #tpu.memory_space<vmem>>, vector<16xf32>,
    %scan3A = arith.constant 0 : i32
    %scan3A_31 = arith.constant 0 : i32
    %scan3A_32 = arith.constant 128 : i32
    %scan3A_33 = arith.addi %scan3A_31, %scan3A_32 : i32
    %scan3A_34 = arith.constant 1 : i32
    %scan3A_35 = scf.for %scan3A_103 = %scan3A_31 to %scan3A_33 step %scan3A_34 iter_args(%scan3A_104 = %scan3A) -> (i32)  : i32 {
      %broadcast_in_dim3A_105 = arith.constant 0.000000e+00 : f32
      %broadcast_in_dim3A_106 = vector.broadcast %broadcast_in_dim3A_105 : f32 to vector<16xf32>
      %mul3A_107 = arith.constant 16 : i32
      %mul3A_108 = arith.muli %scan3A_103, %mul3A_107 : i32
      %swap3A_109 = arith.index_cast %mul3A_108 : i32 to index
      %swap3A_110 = tpu.vector_load %arg11[%swap3A_109] {strides = array<i32>} : memref<2048xf32, #tpu.memory_space<vmem>>, vector<16xf32>,
      tpu.vector_store %arg11[%swap3A_109], %broadcast_in_dim3A_106 {strides = array<i32>} : memref<2048xf32, #tpu.memory_space<vmem>>, vector<16xf32>,
      %scan3A_111 = arith.constant 0 : i32
      scf.yield %scan3A_111 : i32
    }
    %scan3A_36 = arith.constant 128 : i32
    %add3A_37 = arith.constant 0 : i32
    %add3A_38 = arith.addi %arg1, %add3A_37 : i32
    %lt3A = arith.constant 65 : i32
    %lt3A_39 = arith.cmpi slt, %add3A_38, %lt3A : i32
    %convert_element_type3A = arith.extui %lt3A_39 : i1 to i32
    %cond3A = arith.constant 0 : i32
    %cond3A_40 = arith.cmpi ne, %convert_element_type3A, %cond3A : i32
    scf.if %cond3A_40 {
      %mul3A_103 = arith.constant 2048 : i32
      %mul3A_104 = arith.muli %add3A_38, %mul3A_103 : i32
      "tpu.region"() ({
        %run_scoped3A = tpu.sem_alloc : memref<!tpu.dma_semaphore, #tpu.memory_space<semaphore_mem>>
        %dma_start3A = tpu.memref_slice %arg12[%mul3A_104] : memref<133120xf32, #tpu.memory_space<vmem_shared>> -> memref<2048xf32, #tpu.memory_space<vmem_shared>>
        %dma_start3A_105 = tpu.memref_slice %arg12[%mul3A_104] : memref<133120xf32, #tpu.memory_space<vmem_shared>> -> memref<2048xf32, #tpu.memory_space<vmem_shared>>
        tpu.enqueue_dma source(%arg11 : memref<2048xf32, #tpu.memory_space<vmem>>) target(%dma_start3A_105 : memref<2048xf32, #tpu.memory_space<vmem_shared>>) target_semaphore(%run_scoped3A : memref<!tpu.dma_semaphore, #tpu.memory_space<semaphore_mem>>)
        %dma_wait3A = tpu.memref_slice %arg12[%mul3A_104] : memref<133120xf32, #tpu.memory_space<vmem_shared>> -> memref<2048xf32, #tpu.memory_space<vmem_shared>>
        %dma_wait3A_106 = tpu.memref_slice %arg12[%mul3A_104] : memref<133120xf32, #tpu.memory_space<vmem_shared>> -> memref<2048xf32, #tpu.memory_space<vmem_shared>>
        tpu.wait_dma2 semaphore(%run_scoped3A : memref<!tpu.dma_semaphore, #tpu.memory_space<semaphore_mem>>) src(%arg11 : memref<2048xf32, #tpu.memory_space<vmem>>) dst(%dma_wait3A_106 : memref<2048xf32, #tpu.memory_space<vmem_shared>>)
        tpu.yield
      }) : () -> ()
    } else {
    }
    %add3A_41 = arith.constant 16 : i32
    %add3A_42 = arith.addi %arg1, %add3A_41 : i32
    %lt3A_43 = arith.constant 65 : i32
    %lt3A_44 = arith.cmpi slt, %add3A_42, %lt3A_43 : i32
    %convert_element_type3A_45 = arith.extui %lt3A_44 : i1 to i32
    %cond3A_46 = arith.constant 0 : i32
    %cond3A_47 = arith.cmpi ne, %convert_element_type3A_45, %cond3A_46 : i32
    scf.if %cond3A_47 {
      %mul3A_103 = arith.constant 2048 : i32
      %mul3A_104 = arith.muli %add3A_42, %mul3A_103 : i32
      "tpu.region"() ({
        %run_scoped3A = tpu.sem_alloc : memref<!tpu.dma_semaphore, #tpu.memory_space<semaphore_mem>>
        %dma_start3A = tpu.memref_slice %arg12[%mul3A_104] : memref<133120xf32, #tpu.memory_space<vmem_shared>> -> memref<2048xf32, #tpu.memory_space<vmem_shared>>
        %dma_start3A_105 = tpu.memref_slice %arg12[%mul3A_104] : memref<133120xf32, #tpu.memory_space<vmem_shared>> -> memref<2048xf32, #tpu.memory_space<vmem_shared>>
        tpu.enqueue_dma source(%arg11 : memref<2048xf32, #tpu.memory_space<vmem>>) target(%dma_start3A_105 : memref<2048xf32, #tpu.memory_space<vmem_shared>>) target_semaphore(%run_scoped3A : memref<!tpu.dma_semaphore, #tpu.memory_space<semaphore_mem>>)
        %dma_wait3A = tpu.memref_slice %arg12[%mul3A_104] : memref<133120xf32, #tpu.memory_space<vmem_shared>> -> memref<2048xf32, #tpu.memory_space<vmem_shared>>
        %dma_wait3A_106 = tpu.memref_slice %arg12[%mul3A_104] : memref<133120xf32, #tpu.memory_space<vmem_shared>> -> memref<2048xf32, #tpu.memory_space<vmem_shared>>
        tpu.wait_dma2 semaphore(%run_scoped3A : memref<!tpu.dma_semaphore, #tpu.memory_space<semaphore_mem>>) src(%arg11 : memref<2048xf32, #tpu.memory_space<vmem>>) dst(%dma_wait3A_106 : memref<2048xf32, #tpu.memory_space<vmem_shared>>)
        tpu.yield
      }) : () -> ()
    } else {
    }
    %add3A_48 = arith.constant 32 : i32
    %add3A_49 = arith.addi %arg1, %add3A_48 : i32
    %lt3A_50 = arith.constant 65 : i32
    %lt3A_51 = arith.cmpi slt, %add3A_49, %lt3A_50 : i32
    %convert_element_type3A_52 = arith.extui %lt3A_51 : i1 to i32
    %cond3A_53 = arith.constant 0 : i32
    %cond3A_54 = arith.cmpi ne, %convert_element_type3A_52, %cond3A_53 : i32
    scf.if %cond3A_54 {
      %mul3A_103 = arith.constant 2048 : i32
      %mul3A_104 = arith.muli %add3A_49, %mul3A_103 : i32
      "tpu.region"() ({
        %run_scoped3A = tpu.sem_alloc : memref<!tpu.dma_semaphore, #tpu.memory_space<semaphore_mem>>
        %dma_start3A = tpu.memref_slice %arg12[%mul3A_104] : memref<133120xf32, #tpu.memory_space<vmem_shared>> -> memref<2048xf32, #tpu.memory_space<vmem_shared>>
        %dma_start3A_105 = tpu.memref_slice %arg12[%mul3A_104] : memref<133120xf32, #tpu.memory_space<vmem_shared>> -> memref<2048xf32, #tpu.memory_space<vmem_shared>>
        tpu.enqueue_dma source(%arg11 : memref<2048xf32, #tpu.memory_space<vmem>>) target(%dma_start3A_105 : memref<2048xf32, #tpu.memory_space<vmem_shared>>) target_semaphore(%run_scoped3A : memref<!tpu.dma_semaphore, #tpu.memory_space<semaphore_mem>>)
        %dma_wait3A = tpu.memref_slice %arg12[%mul3A_104] : memref<133120xf32, #tpu.memory_space<vmem_shared>> -> memref<2048xf32, #tpu.memory_space<vmem_shared>>
        %dma_wait3A_106 = tpu.memref_slice %arg12[%mul3A_104] : memref<133120xf32, #tpu.memory_space<vmem_shared>> -> memref<2048xf32, #tpu.memory_space<vmem_shared>>
        tpu.wait_dma2 semaphore(%run_scoped3A : memref<!tpu.dma_semaphore, #tpu.memory_space<semaphore_mem>>) src(%arg11 : memref<2048xf32, #tpu.memory_space<vmem>>) dst(%dma_wait3A_106 : memref<2048xf32, #tpu.memory_space<vmem_shared>>)
        tpu.yield
      }) : () -> ()
    } else {
    }
    %add3A_55 = arith.constant 48 : i32
    %add3A_56 = arith.addi %arg1, %add3A_55 : i32
    %lt3A_57 = arith.constant 65 : i32
    %lt3A_58 = arith.cmpi slt, %add3A_56, %lt3A_57 : i32
    %convert_element_type3A_59 = arith.extui %lt3A_58 : i1 to i32
    %cond3A_60 = arith.constant 0 : i32
    %cond3A_61 = arith.cmpi ne, %convert_element_type3A_59, %cond3A_60 : i32
    scf.if %cond3A_61 {
      %mul3A_103 = arith.constant 2048 : i32
      %mul3A_104 = arith.muli %add3A_56, %mul3A_103 : i32
      "tpu.region"() ({
        %run_scoped3A = tpu.sem_alloc : memref<!tpu.dma_semaphore, #tpu.memory_space<semaphore_mem>>
        %dma_start3A = tpu.memref_slice %arg12[%mul3A_104] : memref<133120xf32, #tpu.memory_space<vmem_shared>> -> memref<2048xf32, #tpu.memory_space<vmem_shared>>
        %dma_start3A_105 = tpu.memref_slice %arg12[%mul3A_104] : memref<133120xf32, #tpu.memory_space<vmem_shared>> -> memref<2048xf32, #tpu.memory_space<vmem_shared>>
        tpu.enqueue_dma source(%arg11 : memref<2048xf32, #tpu.memory_space<vmem>>) target(%dma_start3A_105 : memref<2048xf32, #tpu.memory_space<vmem_shared>>) target_semaphore(%run_scoped3A : memref<!tpu.dma_semaphore, #tpu.memory_space<semaphore_mem>>)
        %dma_wait3A = tpu.memref_slice %arg12[%mul3A_104] : memref<133120xf32, #tpu.memory_space<vmem_shared>> -> memref<2048xf32, #tpu.memory_space<vmem_shared>>
        %dma_wait3A_106 = tpu.memref_slice %arg12[%mul3A_104] : memref<133120xf32, #tpu.memory_space<vmem_shared>> -> memref<2048xf32, #tpu.memory_space<vmem_shared>>
        tpu.wait_dma2 semaphore(%run_scoped3A : memref<!tpu.dma_semaphore, #tpu.memory_space<semaphore_mem>>) src(%arg11 : memref<2048xf32, #tpu.memory_space<vmem>>) dst(%dma_wait3A_106 : memref<2048xf32, #tpu.memory_space<vmem_shared>>)
        tpu.yield
      }) : () -> ()
    } else {
    }
    %add3A_62 = arith.constant 64 : i32
    %add3A_63 = arith.addi %arg1, %add3A_62 : i32
    %lt3A_64 = arith.constant 65 : i32
    %lt3A_65 = arith.cmpi slt, %add3A_63, %lt3A_64 : i32
    %convert_element_type3A_66 = arith.extui %lt3A_65 : i1 to i32
    %cond3A_67 = arith.constant 0 : i32
    %cond3A_68 = arith.cmpi ne, %convert_element_type3A_66, %cond3A_67 : i32
    scf.if %cond3A_68 {
      %mul3A_103 = arith.constant 2048 : i32
      %mul3A_104 = arith.muli %add3A_63, %mul3A_103 : i32
      "tpu.region"() ({
        %run_scoped3A = tpu.sem_alloc : memref<!tpu.dma_semaphore, #tpu.memory_space<semaphore_mem>>
        %dma_start3A = tpu.memref_slice %arg12[%mul3A_104] : memref<133120xf32, #tpu.memory_space<vmem_shared>> -> memref<2048xf32, #tpu.memory_space<vmem_shared>>
        %dma_start3A_105 = tpu.memref_slice %arg12[%mul3A_104] : memref<133120xf32, #tpu.memory_space<vmem_shared>> -> memref<2048xf32, #tpu.memory_space<vmem_shared>>
        tpu.enqueue_dma source(%arg11 : memref<2048xf32, #tpu.memory_space<vmem>>) target(%dma_start3A_105 : memref<2048xf32, #tpu.memory_space<vmem_shared>>) target_semaphore(%run_scoped3A : memref<!tpu.dma_semaphore, #tpu.memory_space<semaphore_mem>>)
        %dma_wait3A = tpu.memref_slice %arg12[%mul3A_104] : memref<133120xf32, #tpu.memory_space<vmem_shared>> -> memref<2048xf32, #tpu.memory_space<vmem_shared>>
        %dma_wait3A_106 = tpu.memref_slice %arg12[%mul3A_104] : memref<133120xf32, #tpu.memory_space<vmem_shared>> -> memref<2048xf32, #tpu.memory_space<vmem_shared>>
        tpu.wait_dma2 semaphore(%run_scoped3A : memref<!tpu.dma_semaphore, #tpu.memory_space<semaphore_mem>>) src(%arg11 : memref<2048xf32, #tpu.memory_space<vmem>>) dst(%dma_wait3A_106 : memref<2048xf32, #tpu.memory_space<vmem_shared>>)
        tpu.yield
      }) : () -> ()
    } else {
    }
    %barrier3A = arith.constant 0 : index
    tpu.barrier barrier_id(%barrier3A)
    %sub3A = arith.constant 488 : i32
    %sub3A_69 = arith.subi %sub3A, %add3A : i32
    %jit3A = arith.constant 32 : i32
    %div3A = arith.divsi %sub3A_69, %jit3A : i32
    %sign3A = arith.constant 0 : i32
    %sign3A_70 = arith.cmpi sgt, %sub3A_69, %sign3A : i32
    %sign3A_71 = arith.extui %sign3A_70 : i1 to i32
    %sign3A_72 = arith.constant 0 : i32
    %sign3A_73 = arith.cmpi slt, %sub3A_69, %sign3A_72 : i32
    %sign3A_74 = arith.extui %sign3A_73 : i1 to i32
    %sign3A_75 = arith.subi %sign3A_71, %sign3A_74 : i32
    %sign3A_76 = arith.constant 0 : i32
    %sign3A_77 = arith.cmpi sgt, %jit3A, %sign3A_76 : i32
    %sign3A_78 = arith.extui %sign3A_77 : i1 to i32
    %sign3A_79 = arith.constant 0 : i32
    %sign3A_80 = arith.cmpi slt, %jit3A, %sign3A_79 : i32
    %sign3A_81 = arith.extui %sign3A_80 : i1 to i32
    %sign3A_82 = arith.subi %sign3A_78, %sign3A_81 : i32
    %ne3A = arith.cmpi ne, %sign3A_75, %sign3A_82 : i32
    %rem3A = arith.remsi %sub3A_69, %jit3A : i32
    %ne3A_83 = arith.constant 0 : i32
    %ne3A_84 = arith.cmpi ne, %rem3A, %ne3A_83 : i32
    %and3A = arith.andi %ne3A, %ne3A_84 : i1
    %sub3A_85 = arith.constant 1 : i32
    %sub3A_86 = arith.subi %div3A, %sub3A_85 : i32
    %select_n3A = arith.select %and3A, %sub3A_86, %div3A : i32
    %add3A_87 = arith.constant 1 : i32
    %add3A_88 = arith.addi %select_n3A, %add3A_87 : i32
    %while3A = arith.constant 0 : i32
    %while3A_89 = arith.constant 0 : i32
    %while3A_90 = arith.subi %add3A_88, %while3A : i32
    %while3A_91 = arith.addi %while3A, %while3A_90 : i32
    %while3A_92 = arith.constant 1 : i32
    %while3A_93 = arith.divsi %while3A_90, %while3A_92 : i32
    %while3A_94 = arith.muli %while3A_93, %while3A_92 : i32
    %while3A_95 = arith.addi %while3A, %while3A_94 : i32
    %while3A_96 = arith.constant 1 : i32
    %while3A_97 = scf.for %while3A_103 = %while3A to %while3A_95 step %while3A_96 iter_args(%while3A_104 = %while3A_89) -> (i32)  : i32 {
      %mul3A_105 = arith.constant 32 : i32
      %mul3A_106 = arith.muli %while3A_103, %mul3A_105 : i32
      %add3A_107 = arith.addi %add3A, %mul3A_106 : i32
      %mul3A_108 = arith.constant 2048 : i32
      %mul3A_109 = arith.muli %add3A_107, %mul3A_108 : i32
      %min3A = arith.constant 997952 : i32
      %min3A_110 = arith.minsi %mul3A_109, %min3A : i32
      %mul3A_111 = arith.constant 2048 : i32
      %mul3A_112 = arith.muli %add3A_107, %mul3A_111 : i32
      %sub3A_113 = arith.subi %mul3A_112, %min3A_110 : i32
      "tpu.region"() ({
        %run_scoped3A_137 = tpu.sem_alloc : memref<!tpu.dma_semaphore, #tpu.memory_space<semaphore_mem>>
        %dma_start3A = tpu.memref_slice %arg3[%min3A_110] : memref<1000000xi32, #tpu.memory_space<hbm>> -> memref<2048xi32, #tpu.memory_space<hbm>>
        %dma_start3A_138 = tpu.memref_slice %arg3[%min3A_110] : memref<1000000xi32, #tpu.memory_space<hbm>> -> memref<2048xi32, #tpu.memory_space<hbm>>
        tpu.enqueue_dma source(%dma_start3A_138 : memref<2048xi32, #tpu.memory_space<hbm>>) target(%arg7 : memref<2048xi32, #tpu.memory_space<vmem>>) target_semaphore(%run_scoped3A_137 : memref<!tpu.dma_semaphore, #tpu.memory_space<semaphore_mem>>)
        %dma_wait3A = tpu.memref_slice %arg3[%min3A_110] : memref<1000000xi32, #tpu.memory_space<hbm>> -> memref<2048xi32, #tpu.memory_space<hbm>>
        %dma_wait3A_139 = tpu.memref_slice %arg3[%min3A_110] : memref<1000000xi32, #tpu.memory_space<hbm>> -> memref<2048xi32, #tpu.memory_space<hbm>>
        tpu.wait_dma2 semaphore(%run_scoped3A_137 : memref<!tpu.dma_semaphore, #tpu.memory_space<semaphore_mem>>) src(%dma_wait3A_139 : memref<2048xi32, #tpu.memory_space<hbm>>) dst(%arg7 : memref<2048xi32, #tpu.memory_space<vmem>>)
        tpu.yield
      }) : () -> ()
      "tpu.region"() ({
        %run_scoped3A_137 = tpu.sem_alloc : memref<!tpu.dma_semaphore, #tpu.memory_space<semaphore_mem>>
        %dma_start3A = tpu.memref_slice %arg4[%min3A_110] : memref<1000000xi32, #tpu.memory_space<hbm>> -> memref<2048xi32, #tpu.memory_space<hbm>>
        %dma_start3A_138 = tpu.memref_slice %arg4[%min3A_110] : memref<1000000xi32, #tpu.memory_space<hbm>> -> memref<2048xi32, #tpu.memory_space<hbm>>
        tpu.enqueue_dma source(%dma_start3A_138 : memref<2048xi32, #tpu.memory_space<hbm>>) target(%arg8 : memref<2048xi32, #tpu.memory_space<vmem>>) target_semaphore(%run_scoped3A_137 : memref<!tpu.dma_semaphore, #tpu.memory_space<semaphore_mem>>)
        %dma_wait3A = tpu.memref_slice %arg4[%min3A_110] : memref<1000000xi32, #tpu.memory_space<hbm>> -> memref<2048xi32, #tpu.memory_space<hbm>>
        %dma_wait3A_139 = tpu.memref_slice %arg4[%min3A_110] : memref<1000000xi32, #tpu.memory_space<hbm>> -> memref<2048xi32, #tpu.memory_space<hbm>>
        tpu.wait_dma2 semaphore(%run_scoped3A_137 : memref<!tpu.dma_semaphore, #tpu.memory_space<semaphore_mem>>) src(%dma_wait3A_139 : memref<2048xi32, #tpu.memory_space<hbm>>) dst(%arg8 : memref<2048xi32, #tpu.memory_space<vmem>>)
        tpu.yield
      }) : () -> ()
      %scan3A_114 = arith.constant 0 : i32
      %scan3A_115 = arith.constant 0 : i32
      %scan3A_116 = arith.constant 128 : i32
      %scan3A_117 = arith.addi %scan3A_115, %scan3A_116 : i32
      %scan3A_118 = arith.constant 1 : i32
      %scan3A_119 = scf.for %scan3A_137 = %scan3A_115 to %scan3A_117 step %scan3A_118 iter_args(%scan3A_138 = %scan3A_114) -> (i32)  : i32 {
        %mul3A_139 = arith.constant 16 : i32
        %mul3A_140 = arith.muli %scan3A_137, %mul3A_139 : i32
        %get3A = arith.index_cast %mul3A_140 : i32 to index
        %get3A_141 = tpu.vector_load %arg7[%get3A] {strides = array<i32>} : memref<2048xi32, #tpu.memory_space<vmem>>, vector<16xi32>,
        %mul3A_142 = arith.constant 16 : i32
        %mul3A_143 = arith.muli %scan3A_137, %mul3A_142 : i32
        %get3A_144 = arith.index_cast %mul3A_143 : i32 to index
        %get3A_145 = tpu.vector_load %arg8[%get3A_144] {strides = array<i32>} : memref<2048xi32, #tpu.memory_space<vmem>>, vector<16xi32>,
        %gather3A = tpu.vector_load_idx %arg6[%get3A_141] : memref<128xi32, #tpu.memory_space<vmem>>[vector<16xi32>], vector<16xi32>,
        %shift_left3A = arith.constant 7 : i32
        %shift_left3A_146 = vector.broadcast %shift_left3A : i32 to vector<16xi32>
        %shift_left3A_147 = arith.shli %get3A_145, %shift_left3A_146 : vector<16xi32>
        %or3A = arith.ori %shift_left3A_147, %gather3A : vector<16xi32>
        %mul3A_148 = arith.constant 16 : i32
        %mul3A_149 = arith.muli %scan3A_137, %mul3A_148 : i32
        %iota3A = tpu.iota {dimensions = array<i32: 0>} : vector<16xi32>
        %add3A_150 = vector.broadcast %mul3A_149 : i32 to vector<16xi32>
        %add3A_151 = arith.addi %add3A_150, %iota3A : vector<16xi32>
        %ge3A = vector.broadcast %sub3A_113 : i32 to vector<16xi32>
        %ge3A_152 = arith.cmpi sge, %add3A_151, %ge3A : vector<16xi32>
        %jit3A_153 = arith.constant 131072 : i32
        %broadcast_in_dim3A_154 = vector.broadcast %jit3A_153 : i32 to vector<16xi32>
        %select_n3A_155 = arith.select %ge3A_152, %or3A, %broadcast_in_dim3A_154 : vector<16xi1>, vector<16xi32>
        %shift_right_logical3A = arith.constant 3 : i32
        %shift_right_logical3A_156 = arith.shrui %scan3A_137, %shift_right_logical3A : i32
        %and3A_157 = arith.constant 7 : i32
        %and3A_158 = arith.andi %scan3A_137, %and3A_157 : i32
        %shift_left3A_159 = arith.constant 4 : i32
        %shift_left3A_160 = arith.shli %and3A_158, %shift_left3A_159 : i32
        %swap3A_161 = arith.index_cast %shift_right_logical3A_156 : i32 to index
        %swap3A_162 = arith.index_cast %shift_left3A_160 : i32 to index
        %swap3A_163 = tpu.vector_load %arg9[%swap3A_161, %swap3A_162] {strides = array<i32>} : memref<16x128xi32, #tpu.memory_space<vmem>>, vector<16xi32>,
        tpu.vector_store %arg9[%swap3A_161, %swap3A_162], %select_n3A_155 {strides = array<i32>} : memref<16x128xi32, #tpu.memory_space<vmem>>, vector<16xi32>,
        %scan3A_164 = arith.constant 0 : i32
        scf.yield %scan3A_164 : i32
      }
      %scan3A_120 = arith.constant 128 : i32
      %run_scoped3A = arith.constant 0 : i32
      "tpu.region"() ({
        %run_scoped3A_137 = tpu.sem_alloc : memref<!tpu.dma_semaphore, #tpu.memory_space<semaphore_mem>>
        %dma_start3A = arith.constant 0 : i32
        %dma_start3A_138 = tpu.memref_slice %arg9[%run_scoped3A, %dma_start3A] : memref<16x128xi32, #tpu.memory_space<vmem>> -> memref<1x128xi32, #tpu.memory_space<vmem>>
        %dma_start3A_139 = tpu.memref_squeeze %dma_start3A_138 : memref<1x128xi32, #tpu.memory_space<vmem>> -> memref<128xi32, #tpu.memory_space<vmem>>
        %dma_start3A_140 = arith.constant 0 : i32
        %dma_start3A_141 = tpu.memref_slice %arg12[%dma_start3A_140] : memref<133120xf32, #tpu.memory_space<vmem_shared>> -> memref<133120xf32, #tpu.memory_space<vmem_shared>>
        tpu.enqueue_indirect_dma source(%arg10 : memref<128xf32, #tpu.memory_space<vmem>>) target(%dma_start3A_141 : memref<133120xf32, #tpu.memory_space<vmem_shared>>) offsets(%dma_start3A_139 : memref<128xi32, #tpu.memory_space<vmem>>) semaphore(%run_scoped3A_137 : memref<!tpu.dma_semaphore, #tpu.memory_space<semaphore_mem>>) {add = true}
        %dma_wait3A = arith.constant 0 : i32
        %dma_wait3A_142 = tpu.memref_slice %arg9[%run_scoped3A, %dma_wait3A] : memref<16x128xi32, #tpu.memory_space<vmem>> -> memref<1x128xi32, #tpu.memory_space<vmem>>
        %dma_wait3A_143 = tpu.memref_squeeze %dma_wait3A_142 : memref<1x128xi32, #tpu.memory_space<vmem>> -> memref<128xi32, #tpu.memory_space<vmem>>
        %dma_wait3A_144 = arith.constant 0 : i32
        %dma_wait3A_145 = tpu.memref_slice %arg12[%dma_wait3A_144] : memref<133120xf32, #tpu.memory_space<vmem_shared>> -> memref<133120xf32, #tpu.memory_space<vmem_shared>>
        tpu.wait_indirect_dma semaphore(%run_scoped3A_137 : memref<!tpu.dma_semaphore, #tpu.memory_space<semaphore_mem>>) src(%arg10 : memref<128xf32, #tpu.memory_space<vmem>>) dst(%dma_wait3A_145 : memref<133120xf32, #tpu.memory_space<vmem_shared>>)
        tpu.yield
      }) : () -> ()
      %run_scoped3A_121 = arith.constant 1 : i32
      "tpu.region"() ({
        %run_scoped3A_137 = tpu.sem_alloc : memref<!tpu.dma_semaphore, #tpu.memory_space<semaphore_mem>>
        %dma_start3A = arith.constant 0 : i32
        %dma_start3A_138 = tpu.memref_slice %arg9[%run_scoped3A_121, %dma_start3A] : memref<16x128xi32, #tpu.memory_space<vmem>> -> memref<1x128xi32, #tpu.memory_space<vmem>>
        %dma_start3A_139 = tpu.memref_squeeze %dma_start3A_138 : memref<1x128xi32, #tpu.memory_space<vmem>> -> memref<128xi32, #tpu.memory_space<vmem>>
        %dma_start3A_140 = arith.constant 0 : i32
        %dma_start3A_141 = tpu.memref_slice %arg12[%dma_start3A_140] : memref<133120xf32, #tpu.memory_space<vmem_shared>> -> memref<133120xf32, #tpu.memory_space<vmem_shared>>
        tpu.enqueue_indirect_dma source(%arg10 : memref<128xf32, #tpu.memory_space<vmem>>) target(%dma_start3A_141 : memref<133120xf32, #tpu.memory_space<vmem_shared>>) offsets(%dma_start3A_139 : memref<128xi32, #tpu.memory_space<vmem>>) semaphore(%run_scoped3A_137 : memref<!tpu.dma_semaphore, #tpu.memory_space<semaphore_mem>>) {add = true}
        %dma_wait3A = arith.constant 0 : i32
        %dma_wait3A_142 = tpu.memref_slice %arg9[%run_scoped3A_121, %dma_wait3A] : memref<16x128xi32, #tpu.memory_space<vmem>> -> memref<1x128xi32, #tpu.memory_space<vmem>>
        %dma_wait3A_143 = tpu.memref_squeeze %dma_wait3A_142 : memref<1x128xi32, #tpu.memory_space<vmem>> -> memref<128xi32, #tpu.memory_space<vmem>>
        %dma_wait3A_144 = arith.constant 0 : i32
        %dma_wait3A_145 = tpu.memref_slice %arg12[%dma_wait3A_144] : memref<133120xf32, #tpu.memory_space<vmem_shared>> -> memref<133120xf32, #tpu.memory_space<vmem_shared>>
        tpu.wait_indirect_dma semaphore(%run_scoped3A_137 : memref<!tpu.dma_semaphore, #tpu.memory_space<semaphore_mem>>) src(%arg10 : memref<128xf32, #tpu.memory_space<vmem>>) dst(%dma_wait3A_145 : memref<133120xf32, #tpu.memory_space<vmem_shared>>)
        tpu.yield
      }) : () -> ()
      %run_scoped3A_122 = arith.constant 2 : i32
      "tpu.region"() ({
        %run_scoped3A_137 = tpu.sem_alloc : memref<!tpu.dma_semaphore, #tpu.memory_space<semaphore_mem>>
        %dma_start3A = arith.constant 0 : i32
        %dma_start3A_138 = tpu.memref_slice %arg9[%run_scoped3A_122, %dma_start3A] : memref<16x128xi32, #tpu.memory_space<vmem>> -> memref<1x128xi32, #tpu.memory_space<vmem>>
        %dma_start3A_139 = tpu.memref_squeeze %dma_start3A_138 : memref<1x128xi32, #tpu.memory_space<vmem>> -> memref<128xi32, #tpu.memory_space<vmem>>
        %dma_start3A_140 = arith.constant 0 : i32
        %dma_start3A_141 = tpu.memref_slice %arg12[%dma_start3A_140] : memref<133120xf32, #tpu.memory_space<vmem_shared>> -> memref<133120xf32, #tpu.memory_space<vmem_shared>>
        tpu.enqueue_indirect_dma source(%arg10 : memref<128xf32, #tpu.memory_space<vmem>>) target(%dma_start3A_141 : memref<133120xf32, #tpu.memory_space<vmem_shared>>) offsets(%dma_start3A_139 : memref<128xi32, #tpu.memory_space<vmem>>) semaphore(%run_scoped3A_137 : memref<!tpu.dma_semaphore, #tpu.memory_space<semaphore_mem>>) {add = true}
        %dma_wait3A = arith.constant 0 : i32
        %dma_wait3A_142 = tpu.memref_slice %arg9[%run_scoped3A_122, %dma_wait3A] : memref<16x128xi32, #tpu.memory_space<vmem>> -> memref<1x128xi32, #tpu.memory_space<vmem>>
        %dma_wait3A_143 = tpu.memref_squeeze %dma_wait3A_142 : memref<1x128xi32, #tpu.memory_space<vmem>> -> memref<128xi32, #tpu.memory_space<vmem>>
        %dma_wait3A_144 = arith.constant 0 : i32
        %dma_wait3A_145 = tpu.memref_slice %arg12[%dma_wait3A_144] : memref<133120xf32, #tpu.memory_space<vmem_shared>> -> memref<133120xf32, #tpu.memory_space<vmem_shared>>
        tpu.wait_indirect_dma semaphore(%run_scoped3A_137 : memref<!tpu.dma_semaphore, #tpu.memory_space<semaphore_mem>>) src(%arg10 : memref<128xf32, #tpu.memory_space<vmem>>) dst(%dma_wait3A_145 : memref<133120xf32, #tpu.memory_space<vmem_shared>>)
        tpu.yield
      }) : () -> ()
      %run_scoped3A_123 = arith.constant 3 : i32
      "tpu.region"() ({
        %run_scoped3A_137 = tpu.sem_alloc : memref<!tpu.dma_semaphore, #tpu.memory_space<semaphore_mem>>
        %dma_start3A = arith.constant 0 : i32
        %dma_start3A_138 = tpu.memref_slice %arg9[%run_scoped3A_123, %dma_start3A] : memref<16x128xi32, #tpu.memory_space<vmem>> -> memref<1x128xi32, #tpu.memory_space<vmem>>
        %dma_start3A_139 = tpu.memref_squeeze %dma_start3A_138 : memref<1x128xi32, #tpu.memory_space<vmem>> -> memref<128xi32, #tpu.memory_space<vmem>>
        %dma_start3A_140 = arith.constant 0 : i32
        %dma_start3A_141 = tpu.memref_slice %arg12[%dma_start3A_140] : memref<133120xf32, #tpu.memory_space<vmem_shared>> -> memref<133120xf32, #tpu.memory_space<vmem_shared>>
        tpu.enqueue_indirect_dma source(%arg10 : memref<128xf32, #tpu.memory_space<vmem>>) target(%dma_start3A_141 : memref<133120xf32, #tpu.memory_space<vmem_shared>>) offsets(%dma_start3A_139 : memref<128xi32, #tpu.memory_space<vmem>>) semaphore(%run_scoped3A_137 : memref<!tpu.dma_semaphore, #tpu.memory_space<semaphore_mem>>) {add = true}
        %dma_wait3A = arith.constant 0 : i32
        %dma_wait3A_142 = tpu.memref_slice %arg9[%run_scoped3A_123, %dma_wait3A] : memref<16x128xi32, #tpu.memory_space<vmem>> -> memref<1x128xi32, #tpu.memory_space<vmem>>
        %dma_wait3A_143 = tpu.memref_squeeze %dma_wait3A_142 : memref<1x128xi32, #tpu.memory_space<vmem>> -> memref<128xi32, #tpu.memory_space<vmem>>
        %dma_wait3A_144 = arith.constant 0 : i32
        %dma_wait3A_145 = tpu.memref_slice %arg12[%dma_wait3A_144] : memref<133120xf32, #tpu.memory_space<vmem_shared>> -> memref<133120xf32, #tpu.memory_space<vmem_shared>>
        tpu.wait_indirect_dma semaphore(%run_scoped3A_137 : memref<!tpu.dma_semaphore, #tpu.memory_space<semaphore_mem>>) src(%arg10 : memref<128xf32, #tpu.memory_space<vmem>>) dst(%dma_wait3A_145 : memref<133120xf32, #tpu.memory_space<vmem_shared>>)
        tpu.yield
      }) : () -> ()
      %run_scoped3A_124 = arith.constant 4 : i32
      "tpu.region"() ({
        %run_scoped3A_137 = tpu.sem_alloc : memref<!tpu.dma_semaphore, #tpu.memory_space<semaphore_mem>>
        %dma_start3A = arith.constant 0 : i32
        %dma_start3A_138 = tpu.memref_slice %arg9[%run_scoped3A_124, %dma_start3A] : memref<16x128xi32, #tpu.memory_space<vmem>> -> memref<1x128xi32, #tpu.memory_space<vmem>>
        %dma_start3A_139 = tpu.memref_squeeze %dma_start3A_138 : memref<1x128xi32, #tpu.memory_space<vmem>> -> memref<128xi32, #tpu.memory_space<vmem>>
        %dma_start3A_140 = arith.constant 0 : i32
        %dma_start3A_141 = tpu.memref_slice %arg12[%dma_start3A_140] : memref<133120xf32, #tpu.memory_space<vmem_shared>> -> memref<133120xf32, #tpu.memory_space<vmem_shared>>
        tpu.enqueue_indirect_dma source(%arg10 : memref<128xf32, #tpu.memory_space<vmem>>) target(%dma_start3A_141 : memref<133120xf32, #tpu.memory_space<vmem_shared>>) offsets(%dma_start3A_139 : memref<128xi32, #tpu.memory_space<vmem>>) semaphore(%run_scoped3A_137 : memref<!tpu.dma_semaphore, #tpu.memory_space<semaphore_mem>>) {add = true}
        %dma_wait3A = arith.constant 0 : i32
        %dma_wait3A_142 = tpu.memref_slice %arg9[%run_scoped3A_124, %dma_wait3A] : memref<16x128xi32, #tpu.memory_space<vmem>> -> memref<1x128xi32, #tpu.memory_space<vmem>>
        %dma_wait3A_143 = tpu.memref_squeeze %dma_wait3A_142 : memref<1x128xi32, #tpu.memory_space<vmem>> -> memref<128xi32, #tpu.memory_space<vmem>>
        %dma_wait3A_144 = arith.constant 0 : i32
        %dma_wait3A_145 = tpu.memref_slice %arg12[%dma_wait3A_144] : memref<133120xf32, #tpu.memory_space<vmem_shared>> -> memref<133120xf32, #tpu.memory_space<vmem_shared>>
        tpu.wait_indirect_dma semaphore(%run_scoped3A_137 : memref<!tpu.dma_semaphore, #tpu.memory_space<semaphore_mem>>) src(%arg10 : memref<128xf32, #tpu.memory_space<vmem>>) dst(%dma_wait3A_145 : memref<133120xf32, #tpu.memory_space<vmem_shared>>)
        tpu.yield
      }) : () -> ()
      %run_scoped3A_125 = arith.constant 5 : i32
      "tpu.region"() ({
        %run_scoped3A_137 = tpu.sem_alloc : memref<!tpu.dma_semaphore, #tpu.memory_space<semaphore_mem>>
        %dma_start3A = arith.constant 0 : i32
        %dma_start3A_138 = tpu.memref_slice %arg9[%run_scoped3A_125, %dma_start3A] : memref<16x128xi32, #tpu.memory_space<vmem>> -> memref<1x128xi32, #tpu.memory_space<vmem>>
        %dma_start3A_139 = tpu.memref_squeeze %dma_start3A_138 : memref<1x128xi32, #tpu.memory_space<vmem>> -> memref<128xi32, #tpu.memory_space<vmem>>
        %dma_start3A_140 = arith.constant 0 : i32
        %dma_start3A_141 = tpu.memref_slice %arg12[%dma_start3A_140] : memref<133120xf32, #tpu.memory_space<vmem_shared>> -> memref<133120xf32, #tpu.memory_space<vmem_shared>>
        tpu.enqueue_indirect_dma source(%arg10 : memref<128xf32, #tpu.memory_space<vmem>>) target(%dma_start3A_141 : memref<133120xf32, #tpu.memory_space<vmem_shared>>) offsets(%dma_start3A_139 : memref<128xi32, #tpu.memory_space<vmem>>) semaphore(%run_scoped3A_137 : memref<!tpu.dma_semaphore, #tpu.memory_space<semaphore_mem>>) {add = true}
        %dma_wait3A = arith.constant 0 : i32
        %dma_wait3A_142 = tpu.memref_slice %arg9[%run_scoped3A_125, %dma_wait3A] : memref<16x128xi32, #tpu.memory_space<vmem>> -> memref<1x128xi32, #tpu.memory_space<vmem>>
        %dma_wait3A_143 = tpu.memref_squeeze %dma_wait3A_142 : memref<1x128xi32, #tpu.memory_space<vmem>> -> memref<128xi32, #tpu.memory_space<vmem>>
        %dma_wait3A_144 = arith.constant 0 : i32
        %dma_wait3A_145 = tpu.memref_slice %arg12[%dma_wait3A_144] : memref<133120xf32, #tpu.memory_space<vmem_shared>> -> memref<133120xf32, #tpu.memory_space<vmem_shared>>
        tpu.wait_indirect_dma semaphore(%run_scoped3A_137 : memref<!tpu.dma_semaphore, #tpu.memory_space<semaphore_mem>>) src(%arg10 : memref<128xf32, #tpu.memory_space<vmem>>) dst(%dma_wait3A_145 : memref<133120xf32, #tpu.memory_space<vmem_shared>>)
        tpu.yield
      }) : () -> ()
      %run_scoped3A_126 = arith.constant 6 : i32
      "tpu.region"() ({
        %run_scoped3A_137 = tpu.sem_alloc : memref<!tpu.dma_semaphore, #tpu.memory_space<semaphore_mem>>
        %dma_start3A = arith.constant 0 : i32
        %dma_start3A_138 = tpu.memref_slice %arg9[%run_scoped3A_126, %dma_start3A] : memref<16x128xi32, #tpu.memory_space<vmem>> -> memref<1x128xi32, #tpu.memory_space<vmem>>
        %dma_start3A_139 = tpu.memref_squeeze %dma_start3A_138 : memref<1x128xi32, #tpu.memory_space<vmem>> -> memref<128xi32, #tpu.memory_space<vmem>>
        %dma_start3A_140 = arith.constant 0 : i32
        %dma_start3A_141 = tpu.memref_slice %arg12[%dma_start3A_140] : memref<133120xf32, #tpu.memory_space<vmem_shared>> -> memref<133120xf32, #tpu.memory_space<vmem_shared>>
        tpu.enqueue_indirect_dma source(%arg10 : memref<128xf32, #tpu.memory_space<vmem>>) target(%dma_start3A_141 : memref<133120xf32, #tpu.memory_space<vmem_shared>>) offsets(%dma_start3A_139 : memref<128xi32, #tpu.memory_space<vmem>>) semaphore(%run_scoped3A_137 : memref<!tpu.dma_semaphore, #tpu.memory_space<semaphore_mem>>) {add = true}
        %dma_wait3A = arith.constant 0 : i32
        %dma_wait3A_142 = tpu.memref_slice %arg9[%run_scoped3A_126, %dma_wait3A] : memref<16x128xi32, #tpu.memory_space<vmem>> -> memref<1x128xi32, #tpu.memory_space<vmem>>
        %dma_wait3A_143 = tpu.memref_squeeze %dma_wait3A_142 : memref<1x128xi32, #tpu.memory_space<vmem>> -> memref<128xi32, #tpu.memory_space<vmem>>
        %dma_wait3A_144 = arith.constant 0 : i32
        %dma_wait3A_145 = tpu.memref_slice %arg12[%dma_wait3A_144] : memref<133120xf32, #tpu.memory_space<vmem_shared>> -> memref<133120xf32, #tpu.memory_space<vmem_shared>>
        tpu.wait_indirect_dma semaphore(%run_scoped3A_137 : memref<!tpu.dma_semaphore, #tpu.memory_space<semaphore_mem>>) src(%arg10 : memref<128xf32, #tpu.memory_space<vmem>>) dst(%dma_wait3A_145 : memref<133120xf32, #tpu.memory_space<vmem_shared>>)
        tpu.yield
      }) : () -> ()
      %run_scoped3A_127 = arith.constant 7 : i32
      "tpu.region"() ({
        %run_scoped3A_137 = tpu.sem_alloc : memref<!tpu.dma_semaphore, #tpu.memory_space<semaphore_mem>>
        %dma_start3A = arith.constant 0 : i32
        %dma_start3A_138 = tpu.memref_slice %arg9[%run_scoped3A_127, %dma_start3A] : memref<16x128xi32, #tpu.memory_space<vmem>> -> memref<1x128xi32, #tpu.memory_space<vmem>>
        %dma_start3A_139 = tpu.memref_squeeze %dma_start3A_138 : memref<1x128xi32, #tpu.memory_space<vmem>> -> memref<128xi32, #tpu.memory_space<vmem>>
        %dma_start3A_140 = arith.constant 0 : i32
        %dma_start3A_141 = tpu.memref_slice %arg12[%dma_start3A_140] : memref<133120xf32, #tpu.memory_space<vmem_shared>> -> memref<133120xf32, #tpu.memory_space<vmem_shared>>
        tpu.enqueue_indirect_dma source(%arg10 : memref<128xf32, #tpu.memory_space<vmem>>) target(%dma_start3A_141 : memref<133120xf32, #tpu.memory_space<vmem_shared>>) offsets(%dma_start3A_139 : memref<128xi32, #tpu.memory_space<vmem>>) semaphore(%run_scoped3A_137 : memref<!tpu.dma_semaphore, #tpu.memory_space<semaphore_mem>>) {add = true}
        %dma_wait3A = arith.constant 0 : i32
        %dma_wait3A_142 = tpu.memref_slice %arg9[%run_scoped3A_127, %dma_wait3A] : memref<16x128xi32, #tpu.memory_space<vmem>> -> memref<1x128xi32, #tpu.memory_space<vmem>>
        %dma_wait3A_143 = tpu.memref_squeeze %dma_wait3A_142 : memref<1x128xi32, #tpu.memory_space<vmem>> -> memref<128xi32, #tpu.memory_space<vmem>>
        %dma_wait3A_144 = arith.constant 0 : i32
        %dma_wait3A_145 = tpu.memref_slice %arg12[%dma_wait3A_144] : memref<133120xf32, #tpu.memory_space<vmem_shared>> -> memref<133120xf32, #tpu.memory_space<vmem_shared>>
        tpu.wait_indirect_dma semaphore(%run_scoped3A_137 : memref<!tpu.dma_semaphore, #tpu.memory_space<semaphore_mem>>) src(%arg10 : memref<128xf32, #tpu.memory_space<vmem>>) dst(%dma_wait3A_145 : memref<133120xf32, #tpu.memory_space<vmem_shared>>)
        tpu.yield
      }) : () -> ()
      %run_scoped3A_128 = arith.constant 8 : i32
      "tpu.region"() ({
        %run_scoped3A_137 = tpu.sem_alloc : memref<!tpu.dma_semaphore, #tpu.memory_space<semaphore_mem>>
        %dma_start3A = arith.constant 0 : i32
        %dma_start3A_138 = tpu.memref_slice %arg9[%run_scoped3A_128, %dma_start3A] : memref<16x128xi32, #tpu.memory_space<vmem>> -> memref<1x128xi32, #tpu.memory_space<vmem>>
        %dma_start3A_139 = tpu.memref_squeeze %dma_start3A_138 : memref<1x128xi32, #tpu.memory_space<vmem>> -> memref<128xi32, #tpu.memory_space<vmem>>
        %dma_start3A_140 = arith.constant 0 : i32
        %dma_start3A_141 = tpu.memref_slice %arg12[%dma_start3A_140] : memref<133120xf32, #tpu.memory_space<vmem_shared>> -> memref<133120xf32, #tpu.memory_space<vmem_shared>>
        tpu.enqueue_indirect_dma source(%arg10 : memref<128xf32, #tpu.memory_space<vmem>>) target(%dma_start3A_141 : memref<133120xf32, #tpu.memory_space<vmem_shared>>) offsets(%dma_start3A_139 : memref<128xi32, #tpu.memory_space<vmem>>) semaphore(%run_scoped3A_137 : memref<!tpu.dma_semaphore, #tpu.memory_space<semaphore_mem>>) {add = true}
        %dma_wait3A = arith.constant 0 : i32
        %dma_wait3A_142 = tpu.memref_slice %arg9[%run_scoped3A_128, %dma_wait3A] : memref<16x128xi32, #tpu.memory_space<vmem>> -> memref<1x128xi32, #tpu.memory_space<vmem>>
        %dma_wait3A_143 = tpu.memref_squeeze %dma_wait3A_142 : memref<1x128xi32, #tpu.memory_space<vmem>> -> memref<128xi32, #tpu.memory_space<vmem>>
        %dma_wait3A_144 = arith.constant 0 : i32
        %dma_wait3A_145 = tpu.memref_slice %arg12[%dma_wait3A_144] : memref<133120xf32, #tpu.memory_space<vmem_shared>> -> memref<133120xf32, #tpu.memory_space<vmem_shared>>
        tpu.wait_indirect_dma semaphore(%run_scoped3A_137 : memref<!tpu.dma_semaphore, #tpu.memory_space<semaphore_mem>>) src(%arg10 : memref<128xf32, #tpu.memory_space<vmem>>) dst(%dma_wait3A_145 : memref<133120xf32, #tpu.memory_space<vmem_shared>>)
        tpu.yield
      }) : () -> ()
      %run_scoped3A_129 = arith.constant 9 : i32
      "tpu.region"() ({
        %run_scoped3A_137 = tpu.sem_alloc : memref<!tpu.dma_semaphore, #tpu.memory_space<semaphore_mem>>
        %dma_start3A = arith.constant 0 : i32
        %dma_start3A_138 = tpu.memref_slice %arg9[%run_scoped3A_129, %dma_start3A] : memref<16x128xi32, #tpu.memory_space<vmem>> -> memref<1x128xi32, #tpu.memory_space<vmem>>
        %dma_start3A_139 = tpu.memref_squeeze %dma_start3A_138 : memref<1x128xi32, #tpu.memory_space<vmem>> -> memref<128xi32, #tpu.memory_space<vmem>>
        %dma_start3A_140 = arith.constant 0 : i32
        %dma_start3A_141 = tpu.memref_slice %arg12[%dma_start3A_140] : memref<133120xf32, #tpu.memory_space<vmem_shared>> -> memref<133120xf32, #tpu.memory_space<vmem_shared>>
        tpu.enqueue_indirect_dma source(%arg10 : memref<128xf32, #tpu.memory_space<vmem>>) target(%dma_start3A_141 : memref<133120xf32, #tpu.memory_space<vmem_shared>>) offsets(%dma_start3A_139 : memref<128xi32, #tpu.memory_space<vmem>>) semaphore(%run_scoped3A_137 : memref<!tpu.dma_semaphore, #tpu.memory_space<semaphore_mem>>) {add = true}
        %dma_wait3A = arith.constant 0 : i32
        %dma_wait3A_142 = tpu.memref_slice %arg9[%run_scoped3A_129, %dma_wait3A] : memref<16x128xi32, #tpu.memory_space<vmem>> -> memref<1x128xi32, #tpu.memory_space<vmem>>
        %dma_wait3A_143 = tpu.memref_squeeze %dma_wait3A_142 : memref<1x128xi32, #tpu.memory_space<vmem>> -> memref<128xi32, #tpu.memory_space<vmem>>
        %dma_wait3A_144 = arith.constant 0 : i32
        %dma_wait3A_145 = tpu.memref_slice %arg12[%dma_wait3A_144] : memref<133120xf32, #tpu.memory_space<vmem_shared>> -> memref<133120xf32, #tpu.memory_space<vmem_shared>>
        tpu.wait_indirect_dma semaphore(%run_scoped3A_137 : memref<!tpu.dma_semaphore, #tpu.memory_space<semaphore_mem>>) src(%arg10 : memref<128xf32, #tpu.memory_space<vmem>>) dst(%dma_wait3A_145 : memref<133120xf32, #tpu.memory_space<vmem_shared>>)
        tpu.yield
      }) : () -> ()
      %run_scoped3A_130 = arith.constant 10 : i32
      "tpu.region"() ({
        %run_scoped3A_137 = tpu.sem_alloc : memref<!tpu.dma_semaphore, #tpu.memory_space<semaphore_mem>>
        %dma_start3A = arith.constant 0 : i32
        %dma_start3A_138 = tpu.memref_slice %arg9[%run_scoped3A_130, %dma_start3A] : memref<16x128xi32, #tpu.memory_space<vmem>> -> memref<1x128xi32, #tpu.memory_space<vmem>>
        %dma_start3A_139 = tpu.memref_squeeze %dma_start3A_138 : memref<1x128xi32, #tpu.memory_space<vmem>> -> memref<128xi32, #tpu.memory_space<vmem>>
        %dma_start3A_140 = arith.constant 0 : i32
        %dma_start3A_141 = tpu.memref_slice %arg12[%dma_start3A_140] : memref<133120xf32, #tpu.memory_space<vmem_shared>> -> memref<133120xf32, #tpu.memory_space<vmem_shared>>
        tpu.enqueue_indirect_dma source(%arg10 : memref<128xf32, #tpu.memory_space<vmem>>) target(%dma_start3A_141 : memref<133120xf32, #tpu.memory_space<vmem_shared>>) offsets(%dma_start3A_139 : memref<128xi32, #tpu.memory_space<vmem>>) semaphore(%run_scoped3A_137 : memref<!tpu.dma_semaphore, #tpu.memory_space<semaphore_mem>>) {add = true}
        %dma_wait3A = arith.constant 0 : i32
        %dma_wait3A_142 = tpu.memref_slice %arg9[%run_scoped3A_130, %dma_wait3A] : memref<16x128xi32, #tpu.memory_space<vmem>> -> memref<1x128xi32, #tpu.memory_space<vmem>>
        %dma_wait3A_143 = tpu.memref_squeeze %dma_wait3A_142 : memref<1x128xi32, #tpu.memory_space<vmem>> -> memref<128xi32, #tpu.memory_space<vmem>>
        %dma_wait3A_144 = arith.constant 0 : i32
        %dma_wait3A_145 = tpu.memref_slice %arg12[%dma_wait3A_144] : memref<133120xf32, #tpu.memory_space<vmem_shared>> -> memref<133120xf32, #tpu.memory_space<vmem_shared>>
        tpu.wait_indirect_dma semaphore(%run_scoped3A_137 : memref<!tpu.dma_semaphore, #tpu.memory_space<semaphore_mem>>) src(%arg10 : memref<128xf32, #tpu.memory_space<vmem>>) dst(%dma_wait3A_145 : memref<133120xf32, #tpu.memory_space<vmem_shared>>)
        tpu.yield
      }) : () -> ()
      %run_scoped3A_131 = arith.constant 11 : i32
      "tpu.region"() ({
        %run_scoped3A_137 = tpu.sem_alloc : memref<!tpu.dma_semaphore, #tpu.memory_space<semaphore_mem>>
        %dma_start3A = arith.constant 0 : i32
        %dma_start3A_138 = tpu.memref_slice %arg9[%run_scoped3A_131, %dma_start3A] : memref<16x128xi32, #tpu.memory_space<vmem>> -> memref<1x128xi32, #tpu.memory_space<vmem>>
        %dma_start3A_139 = tpu.memref_squeeze %dma_start3A_138 : memref<1x128xi32, #tpu.memory_space<vmem>> -> memref<128xi32, #tpu.memory_space<vmem>>
        %dma_start3A_140 = arith.constant 0 : i32
        %dma_start3A_141 = tpu.memref_slice %arg12[%dma_start3A_140] : memref<133120xf32, #tpu.memory_space<vmem_shared>> -> memref<133120xf32, #tpu.memory_space<vmem_shared>>
        tpu.enqueue_indirect_dma source(%arg10 : memref<128xf32, #tpu.memory_space<vmem>>) target(%dma_start3A_141 : memref<133120xf32, #tpu.memory_space<vmem_shared>>) offsets(%dma_start3A_139 : memref<128xi32, #tpu.memory_space<vmem>>) semaphore(%run_scoped3A_137 : memref<!tpu.dma_semaphore, #tpu.memory_space<semaphore_mem>>) {add = true}
        %dma_wait3A = arith.constant 0 : i32
        %dma_wait3A_142 = tpu.memref_slice %arg9[%run_scoped3A_131, %dma_wait3A] : memref<16x128xi32, #tpu.memory_space<vmem>> -> memref<1x128xi32, #tpu.memory_space<vmem>>
        %dma_wait3A_143 = tpu.memref_squeeze %dma_wait3A_142 : memref<1x128xi32, #tpu.memory_space<vmem>> -> memref<128xi32, #tpu.memory_space<vmem>>
        %dma_wait3A_144 = arith.constant 0 : i32
        %dma_wait3A_145 = tpu.memref_slice %arg12[%dma_wait3A_144] : memref<133120xf32, #tpu.memory_space<vmem_shared>> -> memref<133120xf32, #tpu.memory_space<vmem_shared>>
        tpu.wait_indirect_dma semaphore(%run_scoped3A_137 : memref<!tpu.dma_semaphore, #tpu.memory_space<semaphore_mem>>) src(%arg10 : memref<128xf32, #tpu.memory_space<vmem>>) dst(%dma_wait3A_145 : memref<133120xf32, #tpu.memory_space<vmem_shared>>)
        tpu.yield
      }) : () -> ()
      %run_scoped3A_132 = arith.constant 12 : i32
      "tpu.region"() ({
        %run_scoped3A_137 = tpu.sem_alloc : memref<!tpu.dma_semaphore, #tpu.memory_space<semaphore_mem>>
        %dma_start3A = arith.constant 0 : i32
        %dma_start3A_138 = tpu.memref_slice %arg9[%run_scoped3A_132, %dma_start3A] : memref<16x128xi32, #tpu.memory_space<vmem>> -> memref<1x128xi32, #tpu.memory_space<vmem>>
        %dma_start3A_139 = tpu.memref_squeeze %dma_start3A_138 : memref<1x128xi32, #tpu.memory_space<vmem>> -> memref<128xi32, #tpu.memory_space<vmem>>
        %dma_start3A_140 = arith.constant 0 : i32
        %dma_start3A_141 = tpu.memref_slice %arg12[%dma_start3A_140] : memref<133120xf32, #tpu.memory_space<vmem_shared>> -> memref<133120xf32, #tpu.memory_space<vmem_shared>>
        tpu.enqueue_indirect_dma source(%arg10 : memref<128xf32, #tpu.memory_space<vmem>>) target(%dma_start3A_141 : memref<133120xf32, #tpu.memory_space<vmem_shared>>) offsets(%dma_start3A_139 : memref<128xi32, #tpu.memory_space<vmem>>) semaphore(%run_scoped3A_137 : memref<!tpu.dma_semaphore, #tpu.memory_space<semaphore_mem>>) {add = true}
        %dma_wait3A = arith.constant 0 : i32
        %dma_wait3A_142 = tpu.memref_slice %arg9[%run_scoped3A_132, %dma_wait3A] : memref<16x128xi32, #tpu.memory_space<vmem>> -> memref<1x128xi32, #tpu.memory_space<vmem>>
        %dma_wait3A_143 = tpu.memref_squeeze %dma_wait3A_142 : memref<1x128xi32, #tpu.memory_space<vmem>> -> memref<128xi32, #tpu.memory_space<vmem>>
        %dma_wait3A_144 = arith.constant 0 : i32
        %dma_wait3A_145 = tpu.memref_slice %arg12[%dma_wait3A_144] : memref<133120xf32, #tpu.memory_space<vmem_shared>> -> memref<133120xf32, #tpu.memory_space<vmem_shared>>
        tpu.wait_indirect_dma semaphore(%run_scoped3A_137 : memref<!tpu.dma_semaphore, #tpu.memory_space<semaphore_mem>>) src(%arg10 : memref<128xf32, #tpu.memory_space<vmem>>) dst(%dma_wait3A_145 : memref<133120xf32, #tpu.memory_space<vmem_shared>>)
        tpu.yield
      }) : () -> ()
      %run_scoped3A_133 = arith.constant 13 : i32
      "tpu.region"() ({
        %run_scoped3A_137 = tpu.sem_alloc : memref<!tpu.dma_semaphore, #tpu.memory_space<semaphore_mem>>
        %dma_start3A = arith.constant 0 : i32
        %dma_start3A_138 = tpu.memref_slice %arg9[%run_scoped3A_133, %dma_start3A] : memref<16x128xi32, #tpu.memory_space<vmem>> -> memref<1x128xi32, #tpu.memory_space<vmem>>
        %dma_start3A_139 = tpu.memref_squeeze %dma_start3A_138 : memref<1x128xi32, #tpu.memory_space<vmem>> -> memref<128xi32, #tpu.memory_space<vmem>>
        %dma_start3A_140 = arith.constant 0 : i32
        %dma_start3A_141 = tpu.memref_slice %arg12[%dma_start3A_140] : memref<133120xf32, #tpu.memory_space<vmem_shared>> -> memref<133120xf32, #tpu.memory_space<vmem_shared>>
        tpu.enqueue_indirect_dma source(%arg10 : memref<128xf32, #tpu.memory_space<vmem>>) target(%dma_start3A_141 : memref<133120xf32, #tpu.memory_space<vmem_shared>>) offsets(%dma_start3A_139 : memref<128xi32, #tpu.memory_space<vmem>>) semaphore(%run_scoped3A_137 : memref<!tpu.dma_semaphore, #tpu.memory_space<semaphore_mem>>) {add = true}
        %dma_wait3A = arith.constant 0 : i32
        %dma_wait3A_142 = tpu.memref_slice %arg9[%run_scoped3A_133, %dma_wait3A] : memref<16x128xi32, #tpu.memory_space<vmem>> -> memref<1x128xi32, #tpu.memory_space<vmem>>
        %dma_wait3A_143 = tpu.memref_squeeze %dma_wait3A_142 : memref<1x128xi32, #tpu.memory_space<vmem>> -> memref<128xi32, #tpu.memory_space<vmem>>
        %dma_wait3A_144 = arith.constant 0 : i32
        %dma_wait3A_145 = tpu.memref_slice %arg12[%dma_wait3A_144] : memref<133120xf32, #tpu.memory_space<vmem_shared>> -> memref<133120xf32, #tpu.memory_space<vmem_shared>>
        tpu.wait_indirect_dma semaphore(%run_scoped3A_137 : memref<!tpu.dma_semaphore, #tpu.memory_space<semaphore_mem>>) src(%arg10 : memref<128xf32, #tpu.memory_space<vmem>>) dst(%dma_wait3A_145 : memref<133120xf32, #tpu.memory_space<vmem_shared>>)
        tpu.yield
      }) : () -> ()
      %run_scoped3A_134 = arith.constant 14 : i32
      "tpu.region"() ({
        %run_scoped3A_137 = tpu.sem_alloc : memref<!tpu.dma_semaphore, #tpu.memory_space<semaphore_mem>>
        %dma_start3A = arith.constant 0 : i32
        %dma_start3A_138 = tpu.memref_slice %arg9[%run_scoped3A_134, %dma_start3A] : memref<16x128xi32, #tpu.memory_space<vmem>> -> memref<1x128xi32, #tpu.memory_space<vmem>>
        %dma_start3A_139 = tpu.memref_squeeze %dma_start3A_138 : memref<1x128xi32, #tpu.memory_space<vmem>> -> memref<128xi32, #tpu.memory_space<vmem>>
        %dma_start3A_140 = arith.constant 0 : i32
        %dma_start3A_141 = tpu.memref_slice %arg12[%dma_start3A_140] : memref<133120xf32, #tpu.memory_space<vmem_shared>> -> memref<133120xf32, #tpu.memory_space<vmem_shared>>
        tpu.enqueue_indirect_dma source(%arg10 : memref<128xf32, #tpu.memory_space<vmem>>) target(%dma_start3A_141 : memref<133120xf32, #tpu.memory_space<vmem_shared>>) offsets(%dma_start3A_139 : memref<128xi32, #tpu.memory_space<vmem>>) semaphore(%run_scoped3A_137 : memref<!tpu.dma_semaphore, #tpu.memory_space<semaphore_mem>>) {add = true}
        %dma_wait3A = arith.constant 0 : i32
        %dma_wait3A_142 = tpu.memref_slice %arg9[%run_scoped3A_134, %dma_wait3A] : memref<16x128xi32, #tpu.memory_space<vmem>> -> memref<1x128xi32, #tpu.memory_space<vmem>>
        %dma_wait3A_143 = tpu.memref_squeeze %dma_wait3A_142 : memref<1x128xi32, #tpu.memory_space<vmem>> -> memref<128xi32, #tpu.memory_space<vmem>>
        %dma_wait3A_144 = arith.constant 0 : i32
        %dma_wait3A_145 = tpu.memref_slice %arg12[%dma_wait3A_144] : memref<133120xf32, #tpu.memory_space<vmem_shared>> -> memref<133120xf32, #tpu.memory_space<vmem_shared>>
        tpu.wait_indirect_dma semaphore(%run_scoped3A_137 : memref<!tpu.dma_semaphore, #tpu.memory_space<semaphore_mem>>) src(%arg10 : memref<128xf32, #tpu.memory_space<vmem>>) dst(%dma_wait3A_145 : memref<133120xf32, #tpu.memory_space<vmem_shared>>)
        tpu.yield
      }) : () -> ()
      %run_scoped3A_135 = arith.constant 15 : i32
      "tpu.region"() ({
        %run_scoped3A_137 = tpu.sem_alloc : memref<!tpu.dma_semaphore, #tpu.memory_space<semaphore_mem>>
        %dma_start3A = arith.constant 0 : i32
        %dma_start3A_138 = tpu.memref_slice %arg9[%run_scoped3A_135, %dma_start3A] : memref<16x128xi32, #tpu.memory_space<vmem>> -> memref<1x128xi32, #tpu.memory_space<vmem>>
        %dma_start3A_139 = tpu.memref_squeeze %dma_start3A_138 : memref<1x128xi32, #tpu.memory_space<vmem>> -> memref<128xi32, #tpu.memory_space<vmem>>
        %dma_start3A_140 = arith.constant 0 : i32
        %dma_start3A_141 = tpu.memref_slice %arg12[%dma_start3A_140] : memref<133120xf32, #tpu.memory_space<vmem_shared>> -> memref<133120xf32, #tpu.memory_space<vmem_shared>>
        tpu.enqueue_indirect_dma source(%arg10 : memref<128xf32, #tpu.memory_space<vmem>>) target(%dma_start3A_141 : memref<133120xf32, #tpu.memory_space<vmem_shared>>) offsets(%dma_start3A_139 : memref<128xi32, #tpu.memory_space<vmem>>) semaphore(%run_scoped3A_137 : memref<!tpu.dma_semaphore, #tpu.memory_space<semaphore_mem>>) {add = true}
        %dma_wait3A = arith.constant 0 : i32
        %dma_wait3A_142 = tpu.memref_slice %arg9[%run_scoped3A_135, %dma_wait3A] : memref<16x128xi32, #tpu.memory_space<vmem>> -> memref<1x128xi32, #tpu.memory_space<vmem>>
        %dma_wait3A_143 = tpu.memref_squeeze %dma_wait3A_142 : memref<1x128xi32, #tpu.memory_space<vmem>> -> memref<128xi32, #tpu.memory_space<vmem>>
        %dma_wait3A_144 = arith.constant 0 : i32
        %dma_wait3A_145 = tpu.memref_slice %arg12[%dma_wait3A_144] : memref<133120xf32, #tpu.memory_space<vmem_shared>> -> memref<133120xf32, #tpu.memory_space<vmem_shared>>
        tpu.wait_indirect_dma semaphore(%run_scoped3A_137 : memref<!tpu.dma_semaphore, #tpu.memory_space<semaphore_mem>>) src(%arg10 : memref<128xf32, #tpu.memory_space<vmem>>) dst(%dma_wait3A_145 : memref<133120xf32, #tpu.memory_space<vmem_shared>>)
        tpu.yield
      }) : () -> ()
      %while3A_136 = arith.constant 0 : i32
      scf.yield %while3A_136 : i32
    }
    %while3A_98 = arith.constant 1 : i32
    %while3A_99 = scf.for %while3A_103 = %while3A_95 to %while3A_91 step %while3A_98 iter_args(%while3A_104 = %while3A_97) -> (i32)  : i32 {
      %mul3A_105 = arith.constant 32 : i32
      %mul3A_106 = arith.muli %while3A_103, %mul3A_105 : i32
      %add3A_107 = arith.addi %add3A, %mul3A_106 : i32
      %mul3A_108 = arith.constant 2048 : i32
      %mul3A_109 = arith.muli %add3A_107, %mul3A_108 : i32
      %min3A = arith.constant 997952 : i32
      %min3A_110 = arith.minsi %mul3A_109, %min3A : i32
      %mul3A_111 = arith.constant 2048 : i32
      %mul3A_112 = arith.muli %add3A_107, %mul3A_111 : i32
      %sub3A_113 = arith.subi %mul3A_112, %min3A_110 : i32
      "tpu.region"() ({
        %run_scoped3A_137 = tpu.sem_alloc : memref<!tpu.dma_semaphore, #tpu.memory_space<semaphore_mem>>
        %dma_start3A = tpu.memref_slice %arg3[%min3A_110] : memref<1000000xi32, #tpu.memory_space<hbm>> -> memref<2048xi32, #tpu.memory_space<hbm>>
        %dma_start3A_138 = tpu.memref_slice %arg3[%min3A_110] : memref<1000000xi32, #tpu.memory_space<hbm>> -> memref<2048xi32, #tpu.memory_space<hbm>>
        tpu.enqueue_dma source(%dma_start3A_138 : memref<2048xi32, #tpu.memory_space<hbm>>) target(%arg7 : memref<2048xi32, #tpu.memory_space<vmem>>) target_semaphore(%run_scoped3A_137 : memref<!tpu.dma_semaphore, #tpu.memory_space<semaphore_mem>>)
        %dma_wait3A = tpu.memref_slice %arg3[%min3A_110] : memref<1000000xi32, #tpu.memory_space<hbm>> -> memref<2048xi32, #tpu.memory_space<hbm>>
        %dma_wait3A_139 = tpu.memref_slice %arg3[%min3A_110] : memref<1000000xi32, #tpu.memory_space<hbm>> -> memref<2048xi32, #tpu.memory_space<hbm>>
        tpu.wait_dma2 semaphore(%run_scoped3A_137 : memref<!tpu.dma_semaphore, #tpu.memory_space<semaphore_mem>>) src(%dma_wait3A_139 : memref<2048xi32, #tpu.memory_space<hbm>>) dst(%arg7 : memref<2048xi32, #tpu.memory_space<vmem>>)
        tpu.yield
      }) : () -> ()
      "tpu.region"() ({
        %run_scoped3A_137 = tpu.sem_alloc : memref<!tpu.dma_semaphore, #tpu.memory_space<semaphore_mem>>
        %dma_start3A = tpu.memref_slice %arg4[%min3A_110] : memref<1000000xi32, #tpu.memory_space<hbm>> -> memref<2048xi32, #tpu.memory_space<hbm>>
        %dma_start3A_138 = tpu.memref_slice %arg4[%min3A_110] : memref<1000000xi32, #tpu.memory_space<hbm>> -> memref<2048xi32, #tpu.memory_space<hbm>>
        tpu.enqueue_dma source(%dma_start3A_138 : memref<2048xi32, #tpu.memory_space<hbm>>) target(%arg8 : memref<2048xi32, #tpu.memory_space<vmem>>) target_semaphore(%run_scoped3A_137 : memref<!tpu.dma_semaphore, #tpu.memory_space<semaphore_mem>>)
        %dma_wait3A = tpu.memref_slice %arg4[%min3A_110] : memref<1000000xi32, #tpu.memory_space<hbm>> -> memref<2048xi32, #tpu.memory_space<hbm>>
        %dma_wait3A_139 = tpu.memref_slice %arg4[%min3A_110] : memref<1000000xi32, #tpu.memory_space<hbm>> -> memref<2048xi32, #tpu.memory_space<hbm>>
        tpu.wait_dma2 semaphore(%run_scoped3A_137 : memref<!tpu.dma_semaphore, #tpu.memory_space<semaphore_mem>>) src(%dma_wait3A_139 : memref<2048xi32, #tpu.memory_space<hbm>>) dst(%arg8 : memref<2048xi32, #tpu.memory_space<vmem>>)
        tpu.yield
      }) : () -> ()
      %scan3A_114 = arith.constant 0 : i32
      %scan3A_115 = arith.constant 0 : i32
      %scan3A_116 = arith.constant 128 : i32
      %scan3A_117 = arith.addi %scan3A_115, %scan3A_116 : i32
      %scan3A_118 = arith.constant 1 : i32
      %scan3A_119 = scf.for %scan3A_137 = %scan3A_115 to %scan3A_117 step %scan3A_118 iter_args(%scan3A_138 = %scan3A_114) -> (i32)  : i32 {
        %mul3A_139 = arith.constant 16 : i32
        %mul3A_140 = arith.muli %scan3A_137, %mul3A_139 : i32
        %get3A = arith.index_cast %mul3A_140 : i32 to index
        %get3A_141 = tpu.vector_load %arg7[%get3A] {strides = array<i32>} : memref<2048xi32, #tpu.memory_space<vmem>>, vector<16xi32>,
        %mul3A_142 = arith.constant 16 : i32
        %mul3A_143 = arith.muli %scan3A_137, %mul3A_142 : i32
        %get3A_144 = arith.index_cast %mul3A_143 : i32 to index
        %get3A_145 = tpu.vector_load %arg8[%get3A_144] {strides = array<i32>} : memref<2048xi32, #tpu.memory_space<vmem>>, vector<16xi32>,
        %gather3A = tpu.vector_load_idx %arg6[%get3A_141] : memref<128xi32, #tpu.memory_space<vmem>>[vector<16xi32>], vector<16xi32>,
        %shift_left3A = arith.constant 7 : i32
        %shift_left3A_146 = vector.broadcast %shift_left3A : i32 to vector<16xi32>
        %shift_left3A_147 = arith.shli %get3A_145, %shift_left3A_146 : vector<16xi32>
        %or3A = arith.ori %shift_left3A_147, %gather3A : vector<16xi32>
        %mul3A_148 = arith.constant 16 : i32
        %mul3A_149 = arith.muli %scan3A_137, %mul3A_148 : i32
        %iota3A = tpu.iota {dimensions = array<i32: 0>} : vector<16xi32>
        %add3A_150 = vector.broadcast %mul3A_149 : i32 to vector<16xi32>
        %add3A_151 = arith.addi %add3A_150, %iota3A : vector<16xi32>
        %ge3A = vector.broadcast %sub3A_113 : i32 to vector<16xi32>
        %ge3A_152 = arith.cmpi sge, %add3A_151, %ge3A : vector<16xi32>
        %jit3A_153 = arith.constant 131072 : i32
        %broadcast_in_dim3A_154 = vector.broadcast %jit3A_153 : i32 to vector<16xi32>
        %select_n3A_155 = arith.select %ge3A_152, %or3A, %broadcast_in_dim3A_154 : vector<16xi1>, vector<16xi32>
        %shift_right_logical3A = arith.constant 3 : i32
        %shift_right_logical3A_156 = arith.shrui %scan3A_137, %shift_right_logical3A : i32
        %and3A_157 = arith.constant 7 : i32
        %and3A_158 = arith.andi %scan3A_137, %and3A_157 : i32
        %shift_left3A_159 = arith.constant 4 : i32
        %shift_left3A_160 = arith.shli %and3A_158, %shift_left3A_159 : i32
        %swap3A_161 = arith.index_cast %shift_right_logical3A_156 : i32 to index
        %swap3A_162 = arith.index_cast %shift_left3A_160 : i32 to index
        %swap3A_163 = tpu.vector_load %arg9[%swap3A_161, %swap3A_162] {strides = array<i32>} : memref<16x128xi32, #tpu.memory_space<vmem>>, vector<16xi32>,
        tpu.vector_store %arg9[%swap3A_161, %swap3A_162], %select_n3A_155 {strides = array<i32>} : memref<16x128xi32, #tpu.memory_space<vmem>>, vector<16xi32>,
        %scan3A_164 = arith.constant 0 : i32
        scf.yield %scan3A_164 : i32
      }
      %scan3A_120 = arith.constant 128 : i32
      %run_scoped3A = arith.constant 0 : i32
      "tpu.region"() ({
        %run_scoped3A_137 = tpu.sem_alloc : memref<!tpu.dma_semaphore, #tpu.memory_space<semaphore_mem>>
        %dma_start3A = arith.constant 0 : i32
        %dma_start3A_138 = tpu.memref_slice %arg9[%run_scoped3A, %dma_start3A] : memref<16x128xi32, #tpu.memory_space<vmem>> -> memref<1x128xi32, #tpu.memory_space<vmem>>
        %dma_start3A_139 = tpu.memref_squeeze %dma_start3A_138 : memref<1x128xi32, #tpu.memory_space<vmem>> -> memref<128xi32, #tpu.memory_space<vmem>>
        %dma_start3A_140 = arith.constant 0 : i32
        %dma_start3A_141 = tpu.memref_slice %arg12[%dma_start3A_140] : memref<133120xf32, #tpu.memory_space<vmem_shared>> -> memref<133120xf32, #tpu.memory_space<vmem_shared>>
        tpu.enqueue_indirect_dma source(%arg10 : memref<128xf32, #tpu.memory_space<vmem>>) target(%dma_start3A_141 : memref<133120xf32, #tpu.memory_space<vmem_shared>>) offsets(%dma_start3A_139 : memref<128xi32, #tpu.memory_space<vmem>>) semaphore(%run_scoped3A_137 : memref<!tpu.dma_semaphore, #tpu.memory_space<semaphore_mem>>) {add = true}
        %dma_wait3A = arith.constant 0 : i32
        %dma_wait3A_142 = tpu.memref_slice %arg9[%run_scoped3A, %dma_wait3A] : memref<16x128xi32, #tpu.memory_space<vmem>> -> memref<1x128xi32, #tpu.memory_space<vmem>>
        %dma_wait3A_143 = tpu.memref_squeeze %dma_wait3A_142 : memref<1x128xi32, #tpu.memory_space<vmem>> -> memref<128xi32, #tpu.memory_space<vmem>>
        %dma_wait3A_144 = arith.constant 0 : i32
        %dma_wait3A_145 = tpu.memref_slice %arg12[%dma_wait3A_144] : memref<133120xf32, #tpu.memory_space<vmem_shared>> -> memref<133120xf32, #tpu.memory_space<vmem_shared>>
        tpu.wait_indirect_dma semaphore(%run_scoped3A_137 : memref<!tpu.dma_semaphore, #tpu.memory_space<semaphore_mem>>) src(%arg10 : memref<128xf32, #tpu.memory_space<vmem>>) dst(%dma_wait3A_145 : memref<133120xf32, #tpu.memory_space<vmem_shared>>)
        tpu.yield
      }) : () -> ()
      %run_scoped3A_121 = arith.constant 1 : i32
      "tpu.region"() ({
        %run_scoped3A_137 = tpu.sem_alloc : memref<!tpu.dma_semaphore, #tpu.memory_space<semaphore_mem>>
        %dma_start3A = arith.constant 0 : i32
        %dma_start3A_138 = tpu.memref_slice %arg9[%run_scoped3A_121, %dma_start3A] : memref<16x128xi32, #tpu.memory_space<vmem>> -> memref<1x128xi32, #tpu.memory_space<vmem>>
        %dma_start3A_139 = tpu.memref_squeeze %dma_start3A_138 : memref<1x128xi32, #tpu.memory_space<vmem>> -> memref<128xi32, #tpu.memory_space<vmem>>
        %dma_start3A_140 = arith.constant 0 : i32
        %dma_start3A_141 = tpu.memref_slice %arg12[%dma_start3A_140] : memref<133120xf32, #tpu.memory_space<vmem_shared>> -> memref<133120xf32, #tpu.memory_space<vmem_shared>>
        tpu.enqueue_indirect_dma source(%arg10 : memref<128xf32, #tpu.memory_space<vmem>>) target(%dma_start3A_141 : memref<133120xf32, #tpu.memory_space<vmem_shared>>) offsets(%dma_start3A_139 : memref<128xi32, #tpu.memory_space<vmem>>) semaphore(%run_scoped3A_137 : memref<!tpu.dma_semaphore, #tpu.memory_space<semaphore_mem>>) {add = true}
        %dma_wait3A = arith.constant 0 : i32
        %dma_wait3A_142 = tpu.memref_slice %arg9[%run_scoped3A_121, %dma_wait3A] : memref<16x128xi32, #tpu.memory_space<vmem>> -> memref<1x128xi32, #tpu.memory_space<vmem>>
        %dma_wait3A_143 = tpu.memref_squeeze %dma_wait3A_142 : memref<1x128xi32, #tpu.memory_space<vmem>> -> memref<128xi32, #tpu.memory_space<vmem>>
        %dma_wait3A_144 = arith.constant 0 : i32
        %dma_wait3A_145 = tpu.memref_slice %arg12[%dma_wait3A_144] : memref<133120xf32, #tpu.memory_space<vmem_shared>> -> memref<133120xf32, #tpu.memory_space<vmem_shared>>
        tpu.wait_indirect_dma semaphore(%run_scoped3A_137 : memref<!tpu.dma_semaphore, #tpu.memory_space<semaphore_mem>>) src(%arg10 : memref<128xf32, #tpu.memory_space<vmem>>) dst(%dma_wait3A_145 : memref<133120xf32, #tpu.memory_space<vmem_shared>>)
        tpu.yield
      }) : () -> ()
      %run_scoped3A_122 = arith.constant 2 : i32
      "tpu.region"() ({
        %run_scoped3A_137 = tpu.sem_alloc : memref<!tpu.dma_semaphore, #tpu.memory_space<semaphore_mem>>
        %dma_start3A = arith.constant 0 : i32
        %dma_start3A_138 = tpu.memref_slice %arg9[%run_scoped3A_122, %dma_start3A] : memref<16x128xi32, #tpu.memory_space<vmem>> -> memref<1x128xi32, #tpu.memory_space<vmem>>
        %dma_start3A_139 = tpu.memref_squeeze %dma_start3A_138 : memref<1x128xi32, #tpu.memory_space<vmem>> -> memref<128xi32, #tpu.memory_space<vmem>>
        %dma_start3A_140 = arith.constant 0 : i32
        %dma_start3A_141 = tpu.memref_slice %arg12[%dma_start3A_140] : memref<133120xf32, #tpu.memory_space<vmem_shared>> -> memref<133120xf32, #tpu.memory_space<vmem_shared>>
        tpu.enqueue_indirect_dma source(%arg10 : memref<128xf32, #tpu.memory_space<vmem>>) target(%dma_start3A_141 : memref<133120xf32, #tpu.memory_space<vmem_shared>>) offsets(%dma_start3A_139 : memref<128xi32, #tpu.memory_space<vmem>>) semaphore(%run_scoped3A_137 : memref<!tpu.dma_semaphore, #tpu.memory_space<semaphore_mem>>) {add = true}
        %dma_wait3A = arith.constant 0 : i32
        %dma_wait3A_142 = tpu.memref_slice %arg9[%run_scoped3A_122, %dma_wait3A] : memref<16x128xi32, #tpu.memory_space<vmem>> -> memref<1x128xi32, #tpu.memory_space<vmem>>
        %dma_wait3A_143 = tpu.memref_squeeze %dma_wait3A_142 : memref<1x128xi32, #tpu.memory_space<vmem>> -> memref<128xi32, #tpu.memory_space<vmem>>
        %dma_wait3A_144 = arith.constant 0 : i32
        %dma_wait3A_145 = tpu.memref_slice %arg12[%dma_wait3A_144] : memref<133120xf32, #tpu.memory_space<vmem_shared>> -> memref<133120xf32, #tpu.memory_space<vmem_shared>>
        tpu.wait_indirect_dma semaphore(%run_scoped3A_137 : memref<!tpu.dma_semaphore, #tpu.memory_space<semaphore_mem>>) src(%arg10 : memref<128xf32, #tpu.memory_space<vmem>>) dst(%dma_wait3A_145 : memref<133120xf32, #tpu.memory_space<vmem_shared>>)
        tpu.yield
      }) : () -> ()
      %run_scoped3A_123 = arith.constant 3 : i32
      "tpu.region"() ({
        %run_scoped3A_137 = tpu.sem_alloc : memref<!tpu.dma_semaphore, #tpu.memory_space<semaphore_mem>>
        %dma_start3A = arith.constant 0 : i32
        %dma_start3A_138 = tpu.memref_slice %arg9[%run_scoped3A_123, %dma_start3A] : memref<16x128xi32, #tpu.memory_space<vmem>> -> memref<1x128xi32, #tpu.memory_space<vmem>>
        %dma_start3A_139 = tpu.memref_squeeze %dma_start3A_138 : memref<1x128xi32, #tpu.memory_space<vmem>> -> memref<128xi32, #tpu.memory_space<vmem>>
        %dma_start3A_140 = arith.constant 0 : i32
        %dma_start3A_141 = tpu.memref_slice %arg12[%dma_start3A_140] : memref<133120xf32, #tpu.memory_space<vmem_shared>> -> memref<133120xf32, #tpu.memory_space<vmem_shared>>
        tpu.enqueue_indirect_dma source(%arg10 : memref<128xf32, #tpu.memory_space<vmem>>) target(%dma_start3A_141 : memref<133120xf32, #tpu.memory_space<vmem_shared>>) offsets(%dma_start3A_139 : memref<128xi32, #tpu.memory_space<vmem>>) semaphore(%run_scoped3A_137 : memref<!tpu.dma_semaphore, #tpu.memory_space<semaphore_mem>>) {add = true}
        %dma_wait3A = arith.constant 0 : i32
        %dma_wait3A_142 = tpu.memref_slice %arg9[%run_scoped3A_123, %dma_wait3A] : memref<16x128xi32, #tpu.memory_space<vmem>> -> memref<1x128xi32, #tpu.memory_space<vmem>>
        %dma_wait3A_143 = tpu.memref_squeeze %dma_wait3A_142 : memref<1x128xi32, #tpu.memory_space<vmem>> -> memref<128xi32, #tpu.memory_space<vmem>>
        %dma_wait3A_144 = arith.constant 0 : i32
        %dma_wait3A_145 = tpu.memref_slice %arg12[%dma_wait3A_144] : memref<133120xf32, #tpu.memory_space<vmem_shared>> -> memref<133120xf32, #tpu.memory_space<vmem_shared>>
        tpu.wait_indirect_dma semaphore(%run_scoped3A_137 : memref<!tpu.dma_semaphore, #tpu.memory_space<semaphore_mem>>) src(%arg10 : memref<128xf32, #tpu.memory_space<vmem>>) dst(%dma_wait3A_145 : memref<133120xf32, #tpu.memory_space<vmem_shared>>)
        tpu.yield
      }) : () -> ()
      %run_scoped3A_124 = arith.constant 4 : i32
      "tpu.region"() ({
        %run_scoped3A_137 = tpu.sem_alloc : memref<!tpu.dma_semaphore, #tpu.memory_space<semaphore_mem>>
        %dma_start3A = arith.constant 0 : i32
        %dma_start3A_138 = tpu.memref_slice %arg9[%run_scoped3A_124, %dma_start3A] : memref<16x128xi32, #tpu.memory_space<vmem>> -> memref<1x128xi32, #tpu.memory_space<vmem>>
        %dma_start3A_139 = tpu.memref_squeeze %dma_start3A_138 : memref<1x128xi32, #tpu.memory_space<vmem>> -> memref<128xi32, #tpu.memory_space<vmem>>
        %dma_start3A_140 = arith.constant 0 : i32
        %dma_start3A_141 = tpu.memref_slice %arg12[%dma_start3A_140] : memref<133120xf32, #tpu.memory_space<vmem_shared>> -> memref<133120xf32, #tpu.memory_space<vmem_shared>>
        tpu.enqueue_indirect_dma source(%arg10 : memref<128xf32, #tpu.memory_space<vmem>>) target(%dma_start3A_141 : memref<133120xf32, #tpu.memory_space<vmem_shared>>) offsets(%dma_start3A_139 : memref<128xi32, #tpu.memory_space<vmem>>) semaphore(%run_scoped3A_137 : memref<!tpu.dma_semaphore, #tpu.memory_space<semaphore_mem>>) {add = true}
        %dma_wait3A = arith.constant 0 : i32
        %dma_wait3A_142 = tpu.memref_slice %arg9[%run_scoped3A_124, %dma_wait3A] : memref<16x128xi32, #tpu.memory_space<vmem>> -> memref<1x128xi32, #tpu.memory_space<vmem>>
        %dma_wait3A_143 = tpu.memref_squeeze %dma_wait3A_142 : memref<1x128xi32, #tpu.memory_space<vmem>> -> memref<128xi32, #tpu.memory_space<vmem>>
        %dma_wait3A_144 = arith.constant 0 : i32
        %dma_wait3A_145 = tpu.memref_slice %arg12[%dma_wait3A_144] : memref<133120xf32, #tpu.memory_space<vmem_shared>> -> memref<133120xf32, #tpu.memory_space<vmem_shared>>
        tpu.wait_indirect_dma semaphore(%run_scoped3A_137 : memref<!tpu.dma_semaphore, #tpu.memory_space<semaphore_mem>>) src(%arg10 : memref<128xf32, #tpu.memory_space<vmem>>) dst(%dma_wait3A_145 : memref<133120xf32, #tpu.memory_space<vmem_shared>>)
        tpu.yield
      }) : () -> ()
      %run_scoped3A_125 = arith.constant 5 : i32
      "tpu.region"() ({
        %run_scoped3A_137 = tpu.sem_alloc : memref<!tpu.dma_semaphore, #tpu.memory_space<semaphore_mem>>
        %dma_start3A = arith.constant 0 : i32
        %dma_start3A_138 = tpu.memref_slice %arg9[%run_scoped3A_125, %dma_start3A] : memref<16x128xi32, #tpu.memory_space<vmem>> -> memref<1x128xi32, #tpu.memory_space<vmem>>
        %dma_start3A_139 = tpu.memref_squeeze %dma_start3A_138 : memref<1x128xi32, #tpu.memory_space<vmem>> -> memref<128xi32, #tpu.memory_space<vmem>>
        %dma_start3A_140 = arith.constant 0 : i32
        %dma_start3A_141 = tpu.memref_slice %arg12[%dma_start3A_140] : memref<133120xf32, #tpu.memory_space<vmem_shared>> -> memref<133120xf32, #tpu.memory_space<vmem_shared>>
        tpu.enqueue_indirect_dma source(%arg10 : memref<128xf32, #tpu.memory_space<vmem>>) target(%dma_start3A_141 : memref<133120xf32, #tpu.memory_space<vmem_shared>>) offsets(%dma_start3A_139 : memref<128xi32, #tpu.memory_space<vmem>>) semaphore(%run_scoped3A_137 : memref<!tpu.dma_semaphore, #tpu.memory_space<semaphore_mem>>) {add = true}
        %dma_wait3A = arith.constant 0 : i32
        %dma_wait3A_142 = tpu.memref_slice %arg9[%run_scoped3A_125, %dma_wait3A] : memref<16x128xi32, #tpu.memory_space<vmem>> -> memref<1x128xi32, #tpu.memory_space<vmem>>
        %dma_wait3A_143 = tpu.memref_squeeze %dma_wait3A_142 : memref<1x128xi32, #tpu.memory_space<vmem>> -> memref<128xi32, #tpu.memory_space<vmem>>
        %dma_wait3A_144 = arith.constant 0 : i32
        %dma_wait3A_145 = tpu.memref_slice %arg12[%dma_wait3A_144] : memref<133120xf32, #tpu.memory_space<vmem_shared>> -> memref<133120xf32, #tpu.memory_space<vmem_shared>>
        tpu.wait_indirect_dma semaphore(%run_scoped3A_137 : memref<!tpu.dma_semaphore, #tpu.memory_space<semaphore_mem>>) src(%arg10 : memref<128xf32, #tpu.memory_space<vmem>>) dst(%dma_wait3A_145 : memref<133120xf32, #tpu.memory_space<vmem_shared>>)
        tpu.yield
      }) : () -> ()
      %run_scoped3A_126 = arith.constant 6 : i32
      "tpu.region"() ({
        %run_scoped3A_137 = tpu.sem_alloc : memref<!tpu.dma_semaphore, #tpu.memory_space<semaphore_mem>>
        %dma_start3A = arith.constant 0 : i32
        %dma_start3A_138 = tpu.memref_slice %arg9[%run_scoped3A_126, %dma_start3A] : memref<16x128xi32, #tpu.memory_space<vmem>> -> memref<1x128xi32, #tpu.memory_space<vmem>>
        %dma_start3A_139 = tpu.memref_squeeze %dma_start3A_138 : memref<1x128xi32, #tpu.memory_space<vmem>> -> memref<128xi32, #tpu.memory_space<vmem>>
        %dma_start3A_140 = arith.constant 0 : i32
        %dma_start3A_141 = tpu.memref_slice %arg12[%dma_start3A_140] : memref<133120xf32, #tpu.memory_space<vmem_shared>> -> memref<133120xf32, #tpu.memory_space<vmem_shared>>
        tpu.enqueue_indirect_dma source(%arg10 : memref<128xf32, #tpu.memory_space<vmem>>) target(%dma_start3A_141 : memref<133120xf32, #tpu.memory_space<vmem_shared>>) offsets(%dma_start3A_139 : memref<128xi32, #tpu.memory_space<vmem>>) semaphore(%run_scoped3A_137 : memref<!tpu.dma_semaphore, #tpu.memory_space<semaphore_mem>>) {add = true}
        %dma_wait3A = arith.constant 0 : i32
        %dma_wait3A_142 = tpu.memref_slice %arg9[%run_scoped3A_126, %dma_wait3A] : memref<16x128xi32, #tpu.memory_space<vmem>> -> memref<1x128xi32, #tpu.memory_space<vmem>>
        %dma_wait3A_143 = tpu.memref_squeeze %dma_wait3A_142 : memref<1x128xi32, #tpu.memory_space<vmem>> -> memref<128xi32, #tpu.memory_space<vmem>>
        %dma_wait3A_144 = arith.constant 0 : i32
        %dma_wait3A_145 = tpu.memref_slice %arg12[%dma_wait3A_144] : memref<133120xf32, #tpu.memory_space<vmem_shared>> -> memref<133120xf32, #tpu.memory_space<vmem_shared>>
        tpu.wait_indirect_dma semaphore(%run_scoped3A_137 : memref<!tpu.dma_semaphore, #tpu.memory_space<semaphore_mem>>) src(%arg10 : memref<128xf32, #tpu.memory_space<vmem>>) dst(%dma_wait3A_145 : memref<133120xf32, #tpu.memory_space<vmem_shared>>)
        tpu.yield
      }) : () -> ()
      %run_scoped3A_127 = arith.constant 7 : i32
      "tpu.region"() ({
        %run_scoped3A_137 = tpu.sem_alloc : memref<!tpu.dma_semaphore, #tpu.memory_space<semaphore_mem>>
        %dma_start3A = arith.constant 0 : i32
        %dma_start3A_138 = tpu.memref_slice %arg9[%run_scoped3A_127, %dma_start3A] : memref<16x128xi32, #tpu.memory_space<vmem>> -> memref<1x128xi32, #tpu.memory_space<vmem>>
        %dma_start3A_139 = tpu.memref_squeeze %dma_start3A_138 : memref<1x128xi32, #tpu.memory_space<vmem>> -> memref<128xi32, #tpu.memory_space<vmem>>
        %dma_start3A_140 = arith.constant 0 : i32
        %dma_start3A_141 = tpu.memref_slice %arg12[%dma_start3A_140] : memref<133120xf32, #tpu.memory_space<vmem_shared>> -> memref<133120xf32, #tpu.memory_space<vmem_shared>>
        tpu.enqueue_indirect_dma source(%arg10 : memref<128xf32, #tpu.memory_space<vmem>>) target(%dma_start3A_141 : memref<133120xf32, #tpu.memory_space<vmem_shared>>) offsets(%dma_start3A_139 : memref<128xi32, #tpu.memory_space<vmem>>) semaphore(%run_scoped3A_137 : memref<!tpu.dma_semaphore, #tpu.memory_space<semaphore_mem>>) {add = true}
        %dma_wait3A = arith.constant 0 : i32
        %dma_wait3A_142 = tpu.memref_slice %arg9[%run_scoped3A_127, %dma_wait3A] : memref<16x128xi32, #tpu.memory_space<vmem>> -> memref<1x128xi32, #tpu.memory_space<vmem>>
        %dma_wait3A_143 = tpu.memref_squeeze %dma_wait3A_142 : memref<1x128xi32, #tpu.memory_space<vmem>> -> memref<128xi32, #tpu.memory_space<vmem>>
        %dma_wait3A_144 = arith.constant 0 : i32
        %dma_wait3A_145 = tpu.memref_slice %arg12[%dma_wait3A_144] : memref<133120xf32, #tpu.memory_space<vmem_shared>> -> memref<133120xf32, #tpu.memory_space<vmem_shared>>
        tpu.wait_indirect_dma semaphore(%run_scoped3A_137 : memref<!tpu.dma_semaphore, #tpu.memory_space<semaphore_mem>>) src(%arg10 : memref<128xf32, #tpu.memory_space<vmem>>) dst(%dma_wait3A_145 : memref<133120xf32, #tpu.memory_space<vmem_shared>>)
        tpu.yield
      }) : () -> ()
      %run_scoped3A_128 = arith.constant 8 : i32
      "tpu.region"() ({
        %run_scoped3A_137 = tpu.sem_alloc : memref<!tpu.dma_semaphore, #tpu.memory_space<semaphore_mem>>
        %dma_start3A = arith.constant 0 : i32
        %dma_start3A_138 = tpu.memref_slice %arg9[%run_scoped3A_128, %dma_start3A] : memref<16x128xi32, #tpu.memory_space<vmem>> -> memref<1x128xi32, #tpu.memory_space<vmem>>
        %dma_start3A_139 = tpu.memref_squeeze %dma_start3A_138 : memref<1x128xi32, #tpu.memory_space<vmem>> -> memref<128xi32, #tpu.memory_space<vmem>>
        %dma_start3A_140 = arith.constant 0 : i32
        %dma_start3A_141 = tpu.memref_slice %arg12[%dma_start3A_140] : memref<133120xf32, #tpu.memory_space<vmem_shared>> -> memref<133120xf32, #tpu.memory_space<vmem_shared>>
        tpu.enqueue_indirect_dma source(%arg10 : memref<128xf32, #tpu.memory_space<vmem>>) target(%dma_start3A_141 : memref<133120xf32, #tpu.memory_space<vmem_shared>>) offsets(%dma_start3A_139 : memref<128xi32, #tpu.memory_space<vmem>>) semaphore(%run_scoped3A_137 : memref<!tpu.dma_semaphore, #tpu.memory_space<semaphore_mem>>) {add = true}
        %dma_wait3A = arith.constant 0 : i32
        %dma_wait3A_142 = tpu.memref_slice %arg9[%run_scoped3A_128, %dma_wait3A] : memref<16x128xi32, #tpu.memory_space<vmem>> -> memref<1x128xi32, #tpu.memory_space<vmem>>
        %dma_wait3A_143 = tpu.memref_squeeze %dma_wait3A_142 : memref<1x128xi32, #tpu.memory_space<vmem>> -> memref<128xi32, #tpu.memory_space<vmem>>
        %dma_wait3A_144 = arith.constant 0 : i32
        %dma_wait3A_145 = tpu.memref_slice %arg12[%dma_wait3A_144] : memref<133120xf32, #tpu.memory_space<vmem_shared>> -> memref<133120xf32, #tpu.memory_space<vmem_shared>>
        tpu.wait_indirect_dma semaphore(%run_scoped3A_137 : memref<!tpu.dma_semaphore, #tpu.memory_space<semaphore_mem>>) src(%arg10 : memref<128xf32, #tpu.memory_space<vmem>>) dst(%dma_wait3A_145 : memref<133120xf32, #tpu.memory_space<vmem_shared>>)
        tpu.yield
      }) : () -> ()
      %run_scoped3A_129 = arith.constant 9 : i32
      "tpu.region"() ({
        %run_scoped3A_137 = tpu.sem_alloc : memref<!tpu.dma_semaphore, #tpu.memory_space<semaphore_mem>>
        %dma_start3A = arith.constant 0 : i32
        %dma_start3A_138 = tpu.memref_slice %arg9[%run_scoped3A_129, %dma_start3A] : memref<16x128xi32, #tpu.memory_space<vmem>> -> memref<1x128xi32, #tpu.memory_space<vmem>>
        %dma_start3A_139 = tpu.memref_squeeze %dma_start3A_138 : memref<1x128xi32, #tpu.memory_space<vmem>> -> memref<128xi32, #tpu.memory_space<vmem>>
        %dma_start3A_140 = arith.constant 0 : i32
        %dma_start3A_141 = tpu.memref_slice %arg12[%dma_start3A_140] : memref<133120xf32, #tpu.memory_space<vmem_shared>> -> memref<133120xf32, #tpu.memory_space<vmem_shared>>
        tpu.enqueue_indirect_dma source(%arg10 : memref<128xf32, #tpu.memory_space<vmem>>) target(%dma_start3A_141 : memref<133120xf32, #tpu.memory_space<vmem_shared>>) offsets(%dma_start3A_139 : memref<128xi32, #tpu.memory_space<vmem>>) semaphore(%run_scoped3A_137 : memref<!tpu.dma_semaphore, #tpu.memory_space<semaphore_mem>>) {add = true}
        %dma_wait3A = arith.constant 0 : i32
        %dma_wait3A_142 = tpu.memref_slice %arg9[%run_scoped3A_129, %dma_wait3A] : memref<16x128xi32, #tpu.memory_space<vmem>> -> memref<1x128xi32, #tpu.memory_space<vmem>>
        %dma_wait3A_143 = tpu.memref_squeeze %dma_wait3A_142 : memref<1x128xi32, #tpu.memory_space<vmem>> -> memref<128xi32, #tpu.memory_space<vmem>>
        %dma_wait3A_144 = arith.constant 0 : i32
        %dma_wait3A_145 = tpu.memref_slice %arg12[%dma_wait3A_144] : memref<133120xf32, #tpu.memory_space<vmem_shared>> -> memref<133120xf32, #tpu.memory_space<vmem_shared>>
        tpu.wait_indirect_dma semaphore(%run_scoped3A_137 : memref<!tpu.dma_semaphore, #tpu.memory_space<semaphore_mem>>) src(%arg10 : memref<128xf32, #tpu.memory_space<vmem>>) dst(%dma_wait3A_145 : memref<133120xf32, #tpu.memory_space<vmem_shared>>)
        tpu.yield
      }) : () -> ()
      %run_scoped3A_130 = arith.constant 10 : i32
      "tpu.region"() ({
        %run_scoped3A_137 = tpu.sem_alloc : memref<!tpu.dma_semaphore, #tpu.memory_space<semaphore_mem>>
        %dma_start3A = arith.constant 0 : i32
        %dma_start3A_138 = tpu.memref_slice %arg9[%run_scoped3A_130, %dma_start3A] : memref<16x128xi32, #tpu.memory_space<vmem>> -> memref<1x128xi32, #tpu.memory_space<vmem>>
        %dma_start3A_139 = tpu.memref_squeeze %dma_start3A_138 : memref<1x128xi32, #tpu.memory_space<vmem>> -> memref<128xi32, #tpu.memory_space<vmem>>
        %dma_start3A_140 = arith.constant 0 : i32
        %dma_start3A_141 = tpu.memref_slice %arg12[%dma_start3A_140] : memref<133120xf32, #tpu.memory_space<vmem_shared>> -> memref<133120xf32, #tpu.memory_space<vmem_shared>>
        tpu.enqueue_indirect_dma source(%arg10 : memref<128xf32, #tpu.memory_space<vmem>>) target(%dma_start3A_141 : memref<133120xf32, #tpu.memory_space<vmem_shared>>) offsets(%dma_start3A_139 : memref<128xi32, #tpu.memory_space<vmem>>) semaphore(%run_scoped3A_137 : memref<!tpu.dma_semaphore, #tpu.memory_space<semaphore_mem>>) {add = true}
        %dma_wait3A = arith.constant 0 : i32
        %dma_wait3A_142 = tpu.memref_slice %arg9[%run_scoped3A_130, %dma_wait3A] : memref<16x128xi32, #tpu.memory_space<vmem>> -> memref<1x128xi32, #tpu.memory_space<vmem>>
        %dma_wait3A_143 = tpu.memref_squeeze %dma_wait3A_142 : memref<1x128xi32, #tpu.memory_space<vmem>> -> memref<128xi32, #tpu.memory_space<vmem>>
        %dma_wait3A_144 = arith.constant 0 : i32
        %dma_wait3A_145 = tpu.memref_slice %arg12[%dma_wait3A_144] : memref<133120xf32, #tpu.memory_space<vmem_shared>> -> memref<133120xf32, #tpu.memory_space<vmem_shared>>
        tpu.wait_indirect_dma semaphore(%run_scoped3A_137 : memref<!tpu.dma_semaphore, #tpu.memory_space<semaphore_mem>>) src(%arg10 : memref<128xf32, #tpu.memory_space<vmem>>) dst(%dma_wait3A_145 : memref<133120xf32, #tpu.memory_space<vmem_shared>>)
        tpu.yield
      }) : () -> ()
      %run_scoped3A_131 = arith.constant 11 : i32
      "tpu.region"() ({
        %run_scoped3A_137 = tpu.sem_alloc : memref<!tpu.dma_semaphore, #tpu.memory_space<semaphore_mem>>
        %dma_start3A = arith.constant 0 : i32
        %dma_start3A_138 = tpu.memref_slice %arg9[%run_scoped3A_131, %dma_start3A] : memref<16x128xi32, #tpu.memory_space<vmem>> -> memref<1x128xi32, #tpu.memory_space<vmem>>
        %dma_start3A_139 = tpu.memref_squeeze %dma_start3A_138 : memref<1x128xi32, #tpu.memory_space<vmem>> -> memref<128xi32, #tpu.memory_space<vmem>>
        %dma_start3A_140 = arith.constant 0 : i32
        %dma_start3A_141 = tpu.memref_slice %arg12[%dma_start3A_140] : memref<133120xf32, #tpu.memory_space<vmem_shared>> -> memref<133120xf32, #tpu.memory_space<vmem_shared>>
        tpu.enqueue_indirect_dma source(%arg10 : memref<128xf32, #tpu.memory_space<vmem>>) target(%dma_start3A_141 : memref<133120xf32, #tpu.memory_space<vmem_shared>>) offsets(%dma_start3A_139 : memref<128xi32, #tpu.memory_space<vmem>>) semaphore(%run_scoped3A_137 : memref<!tpu.dma_semaphore, #tpu.memory_space<semaphore_mem>>) {add = true}
        %dma_wait3A = arith.constant 0 : i32
        %dma_wait3A_142 = tpu.memref_slice %arg9[%run_scoped3A_131, %dma_wait3A] : memref<16x128xi32, #tpu.memory_space<vmem>> -> memref<1x128xi32, #tpu.memory_space<vmem>>
        %dma_wait3A_143 = tpu.memref_squeeze %dma_wait3A_142 : memref<1x128xi32, #tpu.memory_space<vmem>> -> memref<128xi32, #tpu.memory_space<vmem>>
        %dma_wait3A_144 = arith.constant 0 : i32
        %dma_wait3A_145 = tpu.memref_slice %arg12[%dma_wait3A_144] : memref<133120xf32, #tpu.memory_space<vmem_shared>> -> memref<133120xf32, #tpu.memory_space<vmem_shared>>
        tpu.wait_indirect_dma semaphore(%run_scoped3A_137 : memref<!tpu.dma_semaphore, #tpu.memory_space<semaphore_mem>>) src(%arg10 : memref<128xf32, #tpu.memory_space<vmem>>) dst(%dma_wait3A_145 : memref<133120xf32, #tpu.memory_space<vmem_shared>>)
        tpu.yield
      }) : () -> ()
      %run_scoped3A_132 = arith.constant 12 : i32
      "tpu.region"() ({
        %run_scoped3A_137 = tpu.sem_alloc : memref<!tpu.dma_semaphore, #tpu.memory_space<semaphore_mem>>
        %dma_start3A = arith.constant 0 : i32
        %dma_start3A_138 = tpu.memref_slice %arg9[%run_scoped3A_132, %dma_start3A] : memref<16x128xi32, #tpu.memory_space<vmem>> -> memref<1x128xi32, #tpu.memory_space<vmem>>
        %dma_start3A_139 = tpu.memref_squeeze %dma_start3A_138 : memref<1x128xi32, #tpu.memory_space<vmem>> -> memref<128xi32, #tpu.memory_space<vmem>>
        %dma_start3A_140 = arith.constant 0 : i32
        %dma_start3A_141 = tpu.memref_slice %arg12[%dma_start3A_140] : memref<133120xf32, #tpu.memory_space<vmem_shared>> -> memref<133120xf32, #tpu.memory_space<vmem_shared>>
        tpu.enqueue_indirect_dma source(%arg10 : memref<128xf32, #tpu.memory_space<vmem>>) target(%dma_start3A_141 : memref<133120xf32, #tpu.memory_space<vmem_shared>>) offsets(%dma_start3A_139 : memref<128xi32, #tpu.memory_space<vmem>>) semaphore(%run_scoped3A_137 : memref<!tpu.dma_semaphore, #tpu.memory_space<semaphore_mem>>) {add = true}
        %dma_wait3A = arith.constant 0 : i32
        %dma_wait3A_142 = tpu.memref_slice %arg9[%run_scoped3A_132, %dma_wait3A] : memref<16x128xi32, #tpu.memory_space<vmem>> -> memref<1x128xi32, #tpu.memory_space<vmem>>
        %dma_wait3A_143 = tpu.memref_squeeze %dma_wait3A_142 : memref<1x128xi32, #tpu.memory_space<vmem>> -> memref<128xi32, #tpu.memory_space<vmem>>
        %dma_wait3A_144 = arith.constant 0 : i32
        %dma_wait3A_145 = tpu.memref_slice %arg12[%dma_wait3A_144] : memref<133120xf32, #tpu.memory_space<vmem_shared>> -> memref<133120xf32, #tpu.memory_space<vmem_shared>>
        tpu.wait_indirect_dma semaphore(%run_scoped3A_137 : memref<!tpu.dma_semaphore, #tpu.memory_space<semaphore_mem>>) src(%arg10 : memref<128xf32, #tpu.memory_space<vmem>>) dst(%dma_wait3A_145 : memref<133120xf32, #tpu.memory_space<vmem_shared>>)
        tpu.yield
      }) : () -> ()
      %run_scoped3A_133 = arith.constant 13 : i32
      "tpu.region"() ({
        %run_scoped3A_137 = tpu.sem_alloc : memref<!tpu.dma_semaphore, #tpu.memory_space<semaphore_mem>>
        %dma_start3A = arith.constant 0 : i32
        %dma_start3A_138 = tpu.memref_slice %arg9[%run_scoped3A_133, %dma_start3A] : memref<16x128xi32, #tpu.memory_space<vmem>> -> memref<1x128xi32, #tpu.memory_space<vmem>>
        %dma_start3A_139 = tpu.memref_squeeze %dma_start3A_138 : memref<1x128xi32, #tpu.memory_space<vmem>> -> memref<128xi32, #tpu.memory_space<vmem>>
        %dma_start3A_140 = arith.constant 0 : i32
        %dma_start3A_141 = tpu.memref_slice %arg12[%dma_start3A_140] : memref<133120xf32, #tpu.memory_space<vmem_shared>> -> memref<133120xf32, #tpu.memory_space<vmem_shared>>
        tpu.enqueue_indirect_dma source(%arg10 : memref<128xf32, #tpu.memory_space<vmem>>) target(%dma_start3A_141 : memref<133120xf32, #tpu.memory_space<vmem_shared>>) offsets(%dma_start3A_139 : memref<128xi32, #tpu.memory_space<vmem>>) semaphore(%run_scoped3A_137 : memref<!tpu.dma_semaphore, #tpu.memory_space<semaphore_mem>>) {add = true}
        %dma_wait3A = arith.constant 0 : i32
        %dma_wait3A_142 = tpu.memref_slice %arg9[%run_scoped3A_133, %dma_wait3A] : memref<16x128xi32, #tpu.memory_space<vmem>> -> memref<1x128xi32, #tpu.memory_space<vmem>>
        %dma_wait3A_143 = tpu.memref_squeeze %dma_wait3A_142 : memref<1x128xi32, #tpu.memory_space<vmem>> -> memref<128xi32, #tpu.memory_space<vmem>>
        %dma_wait3A_144 = arith.constant 0 : i32
        %dma_wait3A_145 = tpu.memref_slice %arg12[%dma_wait3A_144] : memref<133120xf32, #tpu.memory_space<vmem_shared>> -> memref<133120xf32, #tpu.memory_space<vmem_shared>>
        tpu.wait_indirect_dma semaphore(%run_scoped3A_137 : memref<!tpu.dma_semaphore, #tpu.memory_space<semaphore_mem>>) src(%arg10 : memref<128xf32, #tpu.memory_space<vmem>>) dst(%dma_wait3A_145 : memref<133120xf32, #tpu.memory_space<vmem_shared>>)
        tpu.yield
      }) : () -> ()
      %run_scoped3A_134 = arith.constant 14 : i32
      "tpu.region"() ({
        %run_scoped3A_137 = tpu.sem_alloc : memref<!tpu.dma_semaphore, #tpu.memory_space<semaphore_mem>>
        %dma_start3A = arith.constant 0 : i32
        %dma_start3A_138 = tpu.memref_slice %arg9[%run_scoped3A_134, %dma_start3A] : memref<16x128xi32, #tpu.memory_space<vmem>> -> memref<1x128xi32, #tpu.memory_space<vmem>>
        %dma_start3A_139 = tpu.memref_squeeze %dma_start3A_138 : memref<1x128xi32, #tpu.memory_space<vmem>> -> memref<128xi32, #tpu.memory_space<vmem>>
        %dma_start3A_140 = arith.constant 0 : i32
        %dma_start3A_141 = tpu.memref_slice %arg12[%dma_start3A_140] : memref<133120xf32, #tpu.memory_space<vmem_shared>> -> memref<133120xf32, #tpu.memory_space<vmem_shared>>
        tpu.enqueue_indirect_dma source(%arg10 : memref<128xf32, #tpu.memory_space<vmem>>) target(%dma_start3A_141 : memref<133120xf32, #tpu.memory_space<vmem_shared>>) offsets(%dma_start3A_139 : memref<128xi32, #tpu.memory_space<vmem>>) semaphore(%run_scoped3A_137 : memref<!tpu.dma_semaphore, #tpu.memory_space<semaphore_mem>>) {add = true}
        %dma_wait3A = arith.constant 0 : i32
        %dma_wait3A_142 = tpu.memref_slice %arg9[%run_scoped3A_134, %dma_wait3A] : memref<16x128xi32, #tpu.memory_space<vmem>> -> memref<1x128xi32, #tpu.memory_space<vmem>>
        %dma_wait3A_143 = tpu.memref_squeeze %dma_wait3A_142 : memref<1x128xi32, #tpu.memory_space<vmem>> -> memref<128xi32, #tpu.memory_space<vmem>>
        %dma_wait3A_144 = arith.constant 0 : i32
        %dma_wait3A_145 = tpu.memref_slice %arg12[%dma_wait3A_144] : memref<133120xf32, #tpu.memory_space<vmem_shared>> -> memref<133120xf32, #tpu.memory_space<vmem_shared>>
        tpu.wait_indirect_dma semaphore(%run_scoped3A_137 : memref<!tpu.dma_semaphore, #tpu.memory_space<semaphore_mem>>) src(%arg10 : memref<128xf32, #tpu.memory_space<vmem>>) dst(%dma_wait3A_145 : memref<133120xf32, #tpu.memory_space<vmem_shared>>)
        tpu.yield
      }) : () -> ()
      %run_scoped3A_135 = arith.constant 15 : i32
      "tpu.region"() ({
        %run_scoped3A_137 = tpu.sem_alloc : memref<!tpu.dma_semaphore, #tpu.memory_space<semaphore_mem>>
        %dma_start3A = arith.constant 0 : i32
        %dma_start3A_138 = tpu.memref_slice %arg9[%run_scoped3A_135, %dma_start3A] : memref<16x128xi32, #tpu.memory_space<vmem>> -> memref<1x128xi32, #tpu.memory_space<vmem>>
        %dma_start3A_139 = tpu.memref_squeeze %dma_start3A_138 : memref<1x128xi32, #tpu.memory_space<vmem>> -> memref<128xi32, #tpu.memory_space<vmem>>
        %dma_start3A_140 = arith.constant 0 : i32
        %dma_start3A_141 = tpu.memref_slice %arg12[%dma_start3A_140] : memref<133120xf32, #tpu.memory_space<vmem_shared>> -> memref<133120xf32, #tpu.memory_space<vmem_shared>>
        tpu.enqueue_indirect_dma source(%arg10 : memref<128xf32, #tpu.memory_space<vmem>>) target(%dma_start3A_141 : memref<133120xf32, #tpu.memory_space<vmem_shared>>) offsets(%dma_start3A_139 : memref<128xi32, #tpu.memory_space<vmem>>) semaphore(%run_scoped3A_137 : memref<!tpu.dma_semaphore, #tpu.memory_space<semaphore_mem>>) {add = true}
        %dma_wait3A = arith.constant 0 : i32
        %dma_wait3A_142 = tpu.memref_slice %arg9[%run_scoped3A_135, %dma_wait3A] : memref<16x128xi32, #tpu.memory_space<vmem>> -> memref<1x128xi32, #tpu.memory_space<vmem>>
        %dma_wait3A_143 = tpu.memref_squeeze %dma_wait3A_142 : memref<1x128xi32, #tpu.memory_space<vmem>> -> memref<128xi32, #tpu.memory_space<vmem>>
        %dma_wait3A_144 = arith.constant 0 : i32
        %dma_wait3A_145 = tpu.memref_slice %arg12[%dma_wait3A_144] : memref<133120xf32, #tpu.memory_space<vmem_shared>> -> memref<133120xf32, #tpu.memory_space<vmem_shared>>
        tpu.wait_indirect_dma semaphore(%run_scoped3A_137 : memref<!tpu.dma_semaphore, #tpu.memory_space<semaphore_mem>>) src(%arg10 : memref<128xf32, #tpu.memory_space<vmem>>) dst(%dma_wait3A_145 : memref<133120xf32, #tpu.memory_space<vmem_shared>>)
        tpu.yield
      }) : () -> ()
      %while3A_136 = arith.constant 0 : i32
      scf.yield %while3A_136 : i32
    }
    %barrier3A_100 = arith.constant 0 : index
    tpu.barrier barrier_id(%barrier3A_100)
    %mul3A_101 = arith.constant 8192 : i32
    %mul3A_102 = arith.muli %arg1, %mul3A_101 : i32
    "tpu.region"() ({
      %run_scoped3A = tpu.sem_alloc : memref<!tpu.dma_semaphore, #tpu.memory_space<semaphore_mem>>
      %dma_start3A = arith.constant 0 : i32
      %dma_start3A_103 = tpu.memref_slice %arg5[%arg0, %arg1, %dma_start3A] : memref<2x16x8192xf32, #tpu.memory_space<hbm>> -> memref<1x1x8192xf32, #tpu.memory_space<hbm>>
      %dma_start3A_104 = tpu.memref_squeeze %dma_start3A_103 : memref<1x1x8192xf32, #tpu.memory_space<hbm>> -> memref<8192xf32, #tpu.memory_space<hbm>>
      %dma_start3A_105 = tpu.memref_slice %arg12[%mul3A_102] : memref<133120xf32, #tpu.memory_space<vmem_shared>> -> memref<8192xf32, #tpu.memory_space<vmem_shared>>
      tpu.enqueue_dma source(%dma_start3A_105 : memref<8192xf32, #tpu.memory_space<vmem_shared>>) target(%dma_start3A_104 : memref<8192xf32, #tpu.memory_space<hbm>>) target_semaphore(%run_scoped3A : memref<!tpu.dma_semaphore, #tpu.memory_space<semaphore_mem>>)
      %dma_wait3A = arith.constant 0 : i32
      %dma_wait3A_106 = tpu.memref_slice %arg5[%arg0, %arg1, %dma_wait3A] : memref<2x16x8192xf32, #tpu.memory_space<hbm>> -> memref<1x1x8192xf32, #tpu.memory_space<hbm>>
      %dma_wait3A_107 = tpu.memref_squeeze %dma_wait3A_106 : memref<1x1x8192xf32, #tpu.memory_space<hbm>> -> memref<8192xf32, #tpu.memory_space<hbm>>
      %dma_wait3A_108 = tpu.memref_slice %arg12[%mul3A_102] : memref<133120xf32, #tpu.memory_space<vmem_shared>> -> memref<8192xf32, #tpu.memory_space<vmem_shared>>
      tpu.wait_dma2 semaphore(%run_scoped3A : memref<!tpu.dma_semaphore, #tpu.memory_space<semaphore_mem>>) src(%dma_wait3A_108 : memref<8192xf32, #tpu.memory_space<vmem_shared>>) dst(%dma_wait3A_107 : memref<8192xf32, #tpu.memory_space<hbm>>)
      tpu.yield
    }) : () -> ()
    return
  }
}

module attributes {stable_mosaic.version = 14 : i64} {
  func.func @_mm_body(%arg0: memref<2x1024x128xf32, #tpu.memory_space<vmem>>, %arg1: memref<128x128xf32, #tpu.memory_space<vmem>>, %arg2: memref<1024x128xf32, #tpu.memory_space<vmem>>) attributes {dimension_semantics = [], scalar_prefetch = 0 : i64, scratch_operands = 0 : i64, tpu.core_type = #tpu.core_type<tc>} {
    %get3A = arith.constant 0 : index
    %get3A_0 = arith.constant 0 : index
    %get3A_1 = arith.constant 0 : index
    %get3A_2 = vector.load %arg0[%get3A, %get3A_0, %get3A_1] : memref<2x1024x128xf32, #tpu.memory_space<vmem>>, vector<1x1024x128xf32>
    %get3A_3 = vector.shape_cast %get3A_2 : vector<1x1024x128xf32> to vector<1024x128xf32>
    %get3A_4 = arith.constant 1 : index
    %get3A_5 = arith.constant 0 : index
    %get3A_6 = arith.constant 0 : index
    %get3A_7 = vector.load %arg0[%get3A_4, %get3A_5, %get3A_6] : memref<2x1024x128xf32, #tpu.memory_space<vmem>>, vector<1x1024x128xf32>
    %get3A_8 = vector.shape_cast %get3A_7 : vector<1x1024x128xf32> to vector<1024x128xf32>
    %add3A = arith.addf %get3A_3, %get3A_8 : vector<1024x128xf32>
    %get3A_9 = arith.constant 0 : index
    %get3A_10 = arith.constant 0 : index
    %get3A_11 = vector.load %arg1[%get3A_9, %get3A_10] : memref<128x128xf32, #tpu.memory_space<vmem>>, vector<128x128xf32>
    %dot_general3A = arith.constant dense<0.000000e+00> : vector<1024x128xf32>
    %dot_general3A_12 = tpu.matmul %add3A, %get3A_11, %dot_general3A {dimension_numbers = #tpu.dot_dimension_numbers<[1], [0], [0], [1], [0, 0, 1, 1], [], []>, transpose_lhs_hint = false} : vector<1024x128xf32>, vector<128x128xf32>, vector<1024x128xf32> -> vector<1024x128xf32>
    %swap3A = arith.constant 0 : index
    %swap3A_13 = arith.constant 0 : index
    %swap3A_14 = vector.load %arg2[%swap3A, %swap3A_13] : memref<1024x128xf32, #tpu.memory_space<vmem>>, vector<1024x128xf32>
    tpu.vector_store %arg2[%swap3A, %swap3A_13], %dot_general3A_12 {strides = array<i32>} : memref<1024x128xf32, #tpu.memory_space<vmem>>, vector<1024x128xf32>,
    return
  }
}

</mosaic_0001>

<sc_bundles>
// kernel: kernel.4.cloned.1.call-start
scs
__scs_entry_jumppad:
0x0: {  	(pc) =	sbr.rel $0x88, $3  }
0x1: {  	(tag) =	ssettag $0x0;
	lr =	simm.s32 $0x1  }
0x2: {  	[smem:$0x3F9D] =	sst lr;
	_ =	strace $0xD0000000  }
0x3: {  	_ = 	snop  }
0x4: {  	_ = 	snop  }
0x5: {  	_ = 	snop  }
0x6: {  	_ = 	snop  }
0x7: {  	_ = 	snop  }
__scs_overlays_trampoline_lowered:
0x8: {  	[smem:$0x3FAC] =	sst s0  }
0x9: {  	[smem:$0x3FAD] =	sst s1  }
0xa: {  	[smem:$0x3FAE] =	sst s2  }
0xb: {  	[smem:$0x3FAF] =	sst s3  }
0xc: {  	[smem:$0x3FB0] =	sst s4  }
0xd: {  	[smem:$0x3FB1] =	sst s5  }
0xe: {  	[smem:$0x3FB2] =	sst s6  }
0xf: {  	[smem:$0x3FB3] =	sst s7  }
0x10: {  	[smem:$0x3FB4] =	sst s8  }
0x11: {  	[smem:$0x3FB5] =	sst s9;
	s0 =	simm.s32 @!p0 $0x0  }
0x12: {  	s1 =	sld [smem:$0x3F9B];
	s0 =	simm.s32 @p0 $0x1  }
0x13: {  	[smem:$0x3FB6] =	sst s0;
	s0 =	simm.s32 @!p1 $0x0  }
0x14: {  	s2 =	sld [smem:$0x3F9A];
	s0 =	simm.s32 @p1 $0x1  }
0x15: {  	[smem:$0x3FB7] =	sst s0;
	s0 =	simm.s32 @!p2 $0x0  }
0x16: {  	s3 =	sld [smem:$0x3FDB];
	s0 =	simm.s32 @p2 $0x1  }
0x17: {  	s4 =	simm.s32 $0x1BF5;
	[smem:$0x3FB9] =	sst s0  }
0x18: {  	s0 =	sld [smem:$0x3F9C];
	_ =	swait.ge [sflag:s4], $0x0  }
0x19: {  	s7 =	sld [smem:$0x3F9D]  }
0x1a: {  	s8 =	sadd.s32 $0xFFFFE003, lr  }
0x1b: {  	s9 =	sadd.s32 $0xFFFFFEF7, lr;
	s5 =	simm.s32 $0xFFFFFFFF;
	p2 =	slt.u32 s8, $0xFFFFF086  }
0x1c: {  	p1 =	slt.u32 s9, $0xF7A;
	s5 =	simm.s32 @!p2 $0x0  }
0x1d: {  	s5 =	simm.s32 @p1 $0x1;
	p0 =	seq.s32 s7, s2  }
0x1e: {  	s7 =	smul.u32 @!p0 $0xF7A, s2;
	p2 =	seq.s32 @!p0 s5, $0x0  }
0x1f: {  	s9 =	smul.u32 $0xF7A, s1;
	s8 =	simm.s32 @!p0 $0x1BF5;
	p2 =	por !p2, p0  }
0x20: {  	[sflag:s8] =	ssyncset.s32 @!p0 $0xFFFFF086;
	s6 =	sadd.s32 @!p0 s3, s7;
	s7 =	simm.s32 @!p0 $0x108  }
0x21: {  	s3 =	sadd.s32 s3, s9;
	s6 =	sadd.s32 @!p0 $0x88, s6;
	s7 =	simm.s32 @p2 $0x1082  }
0x22: {  	[simem:s7], [sflag:s8] =	dma.local @!p0 [hbm:s6], $0xF7A  }
0x23: {  	s9 =	sor.u32 $0xD0000000, s2;
	s6 =	simm.s32 $0x108;
	_ =	swait.ge @!p0 [sflag:s8], $0x0  }
0x24: {  	s3 =	sadd.s32 $0x88, s3;
	s6 =	simm.s32 @!p1 $0x1082;
	[sflag:s4] =	ssyncset.s32 $0xFFFFF086  }
0x25: {  	[simem:s6], [sflag:s4] =	dma.local [hbm:s3], $0xF7A  }
0x26: {  	[smem:$0x3F9D] =	sst s1;
	(tag) =	ssettag s2;
	_ =	strace s9  }
0x27: {  	s1 =	sld [smem:$0x3FAD]  }
0x28: {  	s2 =	sld [smem:$0x3FAE]  }
0x29: {  	s4 =	sld [smem:$0x3FB0]  }
0x2a: {  	p0 =	seq.s32 s5, $0x0;
	s5 =	sld [smem:$0x3FB1]  }
0x2b: {  	s6 =	sld [smem:$0x3FB2]  }
0x2c: {  	s7 =	sld [smem:$0x3FB3]  }
0x2d: {  	s3 =	simm.s32 $0x108;
	s8 =	sld [smem:$0x3FB4]  }
0x2e: {  	s3 =	simm.s32 @!p0 $0x1082;
	s9 =	sld [smem:$0x3FB5]  }
0x2f: {  	lr =	sadd.s32 s0, s3;
	s0 =	sld [smem:$0x3FAC]  }
0x30: {  	s3 =	sld [smem:$0x3FAF]  }
0x31: {  	[smem:$0x3FB8] =	sst s10  }
0x32: {  	s10 =	sld [smem:$0x3FB6];
	_ =	sdelay $0x3  }
0x33: {  	p0 =	seq.s32 s10, $0x1;
	s10 =	sld [smem:$0x3FB8];
	_ =	sdelay $0x3  }
0x34: {  	[smem:$0x3FB8] =	sst s10  }
0x35: {  	s10 =	sld [smem:$0x3FB7];
	_ =	sdelay $0x3  }
0x36: {  	p1 =	seq.s32 s10, $0x1;
	s10 =	sld [smem:$0x3FB8];
	_ =	sdelay $0x3  }
0x37: {  	[smem:$0x3FB8] =	sst s10  }
0x38: {  	s10 =	sld [smem:$0x3FB9]  }
0x39: {  	_ = 	snop;
	(pc) =	sbr.ind lr, $3  }
0x3a: {  	_ = 	snop  }
0x3b: {  	_ = 	snop  }
0x3c: {  	p2 =	seq.s32 s10, $0x1;
	s10 =	sld [smem:$0x3FB8]  }
0x3d: {  	_ =	shalt  }
0x3e: {  	_ =	shalt  }
0x3f: {  	_ =	shalt  }
0x40: {  	_ =	shalt  }
0x41: {  	_ =	shalt  }
0x42: {  	_ =	shalt  }
0x43: {  	_ =	shalt  }
0x44: {  	_ =	shalt  }
0x45: {  	_ =	shalt  }
0x46: {  	_ =	shalt  }
0x47: {  	_ =	shalt  }
0x48: {  	_ =	shalt  }
0x49: {  	_ =	shalt  }
0x4a: {  	_ =	shalt  }
0x4b: {  	_ =	shalt  }
0x4c: {  	_ =	shalt  }
0x4d: {  	_ =	shalt  }
0x4e: {  	_ =	shalt  }
0x4f: {  	_ =	shalt  }
0x50: {  	_ =	shalt  }
0x51: {  	_ =	shalt  }
0x52: {  	_ =	shalt  }
0x53: {  	_ =	shalt  }
0x54: {  	_ =	shalt  }
0x55: {  	_ =	shalt  }
0x56: {  	_ =	shalt  }
0x57: {  	_ =	shalt  }
0x58: {  	_ =	shalt  }
0x59: {  	_ =	shalt  }
0x5a: {  	_ =	shalt  }
0x5b: {  	_ =	shalt  }
0x5c: {  	_ =	shalt  }
0x5d: {  	_ =	shalt  }
0x5e: {  	_ =	shalt  }
0x5f: {  	_ =	shalt  }
0x60: {  	_ =	shalt  }
0x61: {  	_ =	shalt  }
0x62: {  	_ =	shalt  }
0x63: {  	_ =	shalt  }
0x64: {  	_ =	shalt  }
0x65: {  	_ =	shalt  }
0x66: {  	_ =	shalt  }
0x67: {  	_ =	shalt  }
0x68: {  	_ =	shalt  }
0x69: {  	_ =	shalt  }
0x6a: {  	_ =	shalt  }
0x6b: {  	_ =	shalt  }
0x6c: {  	_ =	shalt  }
0x6d: {  	_ =	shalt  }
0x6e: {  	_ =	shalt  }
0x6f: {  	_ =	shalt  }
0x70: {  	_ =	shalt  }
0x71: {  	_ =	shalt  }
0x72: {  	_ =	shalt  }
0x73: {  	_ =	shalt  }
0x74: {  	_ =	shalt  }
0x75: {  	_ =	shalt  }
0x76: {  	_ =	shalt  }
0x77: {  	_ =	shalt  }
0x78: {  	_ =	shalt  }
0x79: {  	_ =	shalt  }
0x7a: {  	_ =	shalt  }
0x7b: {  	_ =	shalt  }
0x7c: {  	_ =	shalt  }
0x7d: {  	_ =	shalt  }
0x7e: {  	_ =	shalt  }
0x7f: {  	_ =	shalt  }
0x80: {  	_ =	shalt  }
0x81: {  	_ =	shalt  }
0x82: {  	_ =	shalt  }
0x83: {  	_ =	shalt  }
0x84: {  	_ =	shalt  }
0x85: {  	_ =	shalt  }
0x86: {  	_ =	shalt  }
0x87: {  	_ =	shalt  }
.Lfunc_end0:
.L_simem_size_0:
called_computation_lowered:
.L_overlay_start_0:
0x88: {  	s2 =	sld [smem:$0x3FD9]  }
0x89: {  	s3 =	sld [smem:$0x3FFE];
	_ =	sdelay $0x1  }
0x8a: {  	s1 =	srdreg.scid  }
0x8b: {  	s0 =	sand.u32 $0x1, s1  }
0x8c: {  	s17 =	sshll.u32 s0, $0xA;
	s2 =	sadd.s32 s3, s2  }
0x8d: {  	s2 =	sadd.s32 s2, s17  }
0x8e: {  	[smem:$0x3FC4] =	sst s2  }
0x8f: {  	_ = 	snop  }
0x90: {  	s2 =	sld [smem:$0x3FC8]  }
0x91: {  	s18 =	sld [smem:$0x3FC7]  }
0x92: {  	s4 =	sld [smem:$0x3FD0];
	(tm) =	ssettm $0x1  }
0x93: {  	s5 =	sld [smem:$0x3FFB];
	_ =	sdelay $0x3  }
0x94: {  	_ =	strace s5  }
0x95: {  	s5 =	sld [smem:$0x3FFC];
	_ =	sdelay $0x3  }
0x96: {  	_ =	strace s5  }
0x97: {  	s5 =	sld [smem:$0x3FFD];
	_ =	sdelay $0x3  }
0x98: {  	_ =	strace s5  }
0x99: {  	_ =	strace $0x8FFFFFFF  }
0x9a: {  	s19 =	sld [smem:$0x3FDB];
	_ =	sdelay $0x1  }
0x9b: {  	s6 =	simm.s32 $_scs_section_size  }
0x9c: {  	s7 =	simm.s32 $_size__tile_overlayer_lowered;
	s8 =	simm.s32 $_tile_overlayer_lowered  }
0x9d: {  	s22 =	simm.s32 $0x1BFF;
	s21 =	sshll.u32 s8, $0x1;
	s5 =	sadd.s32 s6, s19  }
0x9e: {  	s9 =	simm.s32 $0x0;
	s20 =	sshll.u32 s7, $0x1;
	s7 =	sadd.s32 s21, s5  }
0x9f: {  	[timem:s9], [sflag:s22] =	dma.local [hbm:s7], s20  }
0xa0: {  	_ =	swait.ge [sflag:s22], s20  }
0xa1: {  	s6 =	ssub.s32 $0x0, s20;
	[sflag:s22] =	ssyncset.done $0x0  }
0xa2: {  	[sflag:s22] =	ssyncadd.s32 s6;
	_ =	sdelay $0x1  }
0xa3: {  	s23 =	simm.s32 $0x1B8B  }
0xa4: {  	_ =	swait.ge [sflag:s23], $0x1  }
0xa5: {  	[sflag:s23] =	ssyncset.done $0x0  }
0xa6: {  	s25 =	simm.s32 $0x1B8E;
	s24 =	sld [smem:$0x3FFE];
	[sflag:s23] =	ssyncadd.s32 $0xFFFFFFFF  }
0xa7: {  	s26 =	simm.s32 $execute0_lowered;
	[smem:$0x3FD2] =	sst s25  }
0xa8: {  	s7 =	sshll.u32 s26, $0x1;
	_ =	strace $0x80000046;
	[dreg:$0x1] =	wrdreg $0xFFFFFFFF  }
0xa9: {  	s28 =	simm.s32 $_size_execute0_lowered;
	s5 =	sadd.s32 s5, s7;
	[dreg:$0x0] =	wrdreg $0x0  }
0xaa: {  	s7 =	sshll.u32 s28, $0x1;
	[dreg:$0x2] =	wrdreg s5  }
0xab: {  	[dreg:$0x3] =	wrdreg s7  }
0xac: {  	[dreg:$0x4] =	wrdreg $0xC0  }
0xad: {  	_ =	task [dreg:s9], $0x5FFFF  }
0xae: {  	[dreg:$0x1] =	wrdreg $0xFFFFFFFF  }
0xaf: {  	[dreg:$0x0] =	wrdreg $0x60  }
0xb0: {  	[dreg:$0x2] =	wrdreg s4  }
0xb1: {  	[dreg:$0x3] =	wrdreg s2  }
0xb2: {  	[dreg:$0x4] =	wrdreg s18  }
0xb3: {  	[dreg:$0x5] =	wrdreg s24  }
0xb4: {  	[dreg:$0x6] =	wrdreg $0x21000  }
0xb5: {  	[dreg:$0x7] =	wrdreg $0x9  }
0xb6: {  	_ =	task.clear_ibuf [dreg:s9], $0x8FFFF;
	_ =	strace $0x90000046  }
0xb7: {  	s29 =	simm.s32 $0x9;
	_ =	strace $0x80000048  }
0xb8: {  	_ =	swait.ge [sflag:s29], $0x1  }
0xb9: {  	[sflag:s29] =	ssyncadd.s32 $0xFFFFFFFF  }
0xba: {  	_ =	strace $0x90000048  }
0xbb: {  	_ =	sfence  }
0xbc: {  	s30 =	sld [smem:$0x0];
	_ =	sdelay $0x2  }
0xbd: {  	s31 =	sshll.u32 s1, $0xD;
	s1 =	sshrl.u32 s1, $0x2  }
0xbe: {  	s3 =	sand.u32 $0x4000, s31;
	s1 =	sadd.s32 s1, s30  }
0xbf: {  	s0 =	sor.u32 s3, s0;
	s1 =	sshll.u32 s1, $0x11  }
0xc0: {  	s0 =	sor.u32 s1, s0  }
0xc1: {  	s0 =	sadd.s32 $0x8F2B, s0  }
0xc2: {  	[sflag:s0] =	ssyncadd.remote.s32 $0x1  }
0xc3: {  	_ =	sfence.sel $0xFFFF  }
0xc4: {  	[dreg:$0x0] =	wrdreg $0xFFFFFFFF;
	(pc) =	sbr.abs _section_cstart, $3  }
0xc5: {  	[dreg:$0x1] =	wrdreg $0xFFFFFFFF  }
0xc6: {  	_ =	task.clear_ibuf [dreg:s9], $0x2FFFF;
	_ =	strace $0x9FFFFFFF  }
0xc7: {  	(tm) =	ssettm $0x7FFFFFFF  }
tec
execute0_lowered:
.L_overlay_start_1:
0x0: {  	(tag) =	ssettag $0x1  }
0x1: {  	s3 =	rddreg [dreg:$0x2]  }
0x2: {  	s0 =	rddreg [dreg:$0x3]  }
0x3: {  	s4 =	rddreg [dreg:$0x4]  }
0x4: {  	s2 =	srdreg.scid;
	s1 =	stileid.u32  }
0x5: {  	s6 =	simm.s32 $0x0;
	s18 =	simm.s32 $0x80;
	s19 =	simm.s32 $0x1080  }
0x6: {  	s20 =	simm.s32 $0x1880;
	s21 =	simm.s32 $0x1100;
	s22 =	simm.s32 $0x1180  }
0x7: {  	s23 =	simm.s32 $0x1200;
	s24 =	simm.s32 $0x1280;
	s28 =	simm.s32 $0x1380  }
0x8: {  	s29 =	simm.s32 $0x1400;
	s30 =	simm.s32 $0x1480;
	s31 =	simm.s32 $0x1500  }
0x9: {  	s2 =	sand.u32 $0x1, s2;
	s5 =	sshll.u32 s1, $0xD;
	s9 =	sshll.u32 s1, $0x7  }
0xa: {  	[smem:$0x7FF] =	sst s6;
	s10 =	sshll.u32 s1, $0x1;
	s15 =	sadd.s32 $0x20000, s4  }
0xb: {  	p0 =	sne.s32 s1, $0x0;
	s7 =	sshll.u32 s2, $0x11;
	s8 =	sand.u32 $0x10000, s5  }
0xc: {  	s26 =	sand.u32 $0x380, s9;
	_ =	strace $0x80000047;
	s9 =	ssub.s32 $0x2, s2  }
0xd: {  	s11 =	sshrl.u32 s5, $0x2;
	s2 =	sor.u32 s2, s10;
	[dreg:$0xa] =	wrdreg s15  }
0xe: {  	s17 =	sadd.s32 s5, s4;
	s5 =	simm.s32 $0x1680;
	s10 =	simm.s32 $0x1800  }
0xf: {  	s7 =	sor.u32 s7, s8;
	s12 =	sshrl.u32 s9, $0x1;
	s8 =	sadd.s32 s11, s4  }
0x10: {  	s16 =	ssub.s32 $0x1E8, s2;
	s13 =	sadd.s32 $0x8000, s8;
	[dreg:$0x6] =	wrdreg s8  }
0x11: {  	s7 =	sor.u32 s26, s7;
	s14 =	sadd.s32 $0x10000, s8;
	[dreg:$0x7] =	wrdreg s13  }
0x12: {  	s8 =	sadd.s32 $0x18000, s8;
	s26 =	sshrl.u32 s17, $0x3;
	[dreg:$0x8] =	wrdreg s14  }
0x13: {  	s7 =	sshrl.u32 s7, $0x3;
	[dreg:$0x9] =	wrdreg s8;
	s14 =	sshrl.u32 s16, $0x5  }
0x14: {  	s16 =	simm.s32 $0x1;
	[dreg:$0xd] =	wrdreg s26;
	s26 =	simm.s32 $0x1300  }
0x15: {  	s8 =	simm.s32 $0x1700;
	s0 =	sadd.s32 s7, s0;
	s7 =	ssub.s32 s9, s12  }
0x16: {  	s12 =	sshll.u32 s2, $0xB;
	s2 =	simm.s32 $0x1580;
	s0 =	sadd.s32 $0x600, s0  }
0x17: {  	s9 =	simm.s32 $0x1780;
	s25 =	smax.u32 s7, $0x1;
	[dreg:$0xb] =	wrdreg s0  }
0x18: {  	v0 =	vimm.f32 $1.000000000e+00;
	v1 =	vimm.f32 $0.0e+00;
	v2 =	vlaneseq.u32;
	s7 =	simm.s32 $0x0;
	[dreg:$0xc] =	wrdreg s25;
	s0 =	simm.s32 $0x1600  }
.LBB2_1:
0x19: {  	[dreg:$0xe] =	wrdreg s7  }
0x1a: {  	s1 =	rddreg [dreg:$0x0]  }
0x1b: {  	[tilespmem:s6], [sflag:$0x1] =	stream.linear.gather [hbm4b:s1+s6], $0x80, $0x38;
	[tilespmem:$0x4180] =	vst v63  }
0x1c: {  	_ =	swait.ge [sflag:s16], $0x80  }
0x1d: {  	[sflag:s16] =	ssyncset.done $0x0  }
0x1e: {  	[sflag:s16] =	ssyncadd.s32 $0xFFFFFF80  }
0x1f: {  	[tilespmem:$0x1880] =	vst v0  }
0x20: {  	[tilespmem:$0x1890] =	vst v0  }
0x21: {  	[tilespmem:$0x18A0] =	vst v0  }
0x22: {  	[tilespmem:$0x18B0] =	vst v0  }
0x23: {  	[tilespmem:$0x18C0] =	vst v0  }
0x24: {  	[tilespmem:$0x18D0] =	vst v0  }
0x25: {  	[tilespmem:$0x18E0] =	vst v0  }
0x26: {  	s7 =	simm.s32 $0x40;
	s13 =	simm.s32 $0x0;
	[tilespmem:$0x18F0] =	vst v0  }
.LBB2_2:
0x27: {  	p1 =	sne.s32 s7, $0x1FC0;
	[tilespmem:s13+$0x1900] =	vst v1;
	s11 =	smov.u32 s7;
	s7 =	sadd.s32 $0x40, s7  }
.Ltmp0:
0x28: {  	(pc) =	sbr.rel @p1 .LBB2_2-.Ltmp0, $2  }
0x29: {  	_ =	sdelay $0x2  }
0x2a: {  	s13 =	sshra.s32 s11, $0x2  }
0x2b: {  	[tilespmem:s13+$0x1900] =	vst v1;
	s1 =	rddreg [dreg:$0x6];
	s7 =	simm.s32 $0x1900  }
0x2c: {  	[spmem:s1] =	stream.linear.scatter [tilespmem:s7], [sflag:$0x1], $0x800, $0x38;
	[tilespmem:$0x4180] =	vst v63  }
0x2d: {  	_ =	swait.ge [sflag:s16], $0x800  }
0x2e: {  	[sflag:s16] =	ssyncset.done $0x0  }
0x2f: {  	s15 =	rddreg [dreg:$0x7];
	[sflag:s16] =	ssyncadd.s32 $0xFFFFF800  }
0x30: {  	[spmem:s15] =	stream.linear.scatter [tilespmem:s7], [sflag:$0x1], $0x800, $0x38;
	[tilespmem:$0x4180] =	vst v63  }
0x31: {  	_ =	swait.ge [sflag:s16], $0x800  }
0x32: {  	[sflag:s16] =	ssyncset.done $0x0  }
0x33: {  	s17 =	rddreg [dreg:$0x8];
	[sflag:s16] =	ssyncadd.s32 $0xFFFFF800  }
0x34: {  	[spmem:s17] =	stream.linear.scatter [tilespmem:s7], [sflag:$0x1], $0x800, $0x38;
	[tilespmem:$0x4180] =	vst v63  }
0x35: {  	_ =	swait.ge [sflag:s16], $0x800  }
0x36: {  	[sflag:s16] =	ssyncset.done $0x0  }
0x37: {  	s25 =	rddreg [dreg:$0x9];
	[sflag:s16] =	ssyncadd.s32 $0xFFFFF800  }
0x38: {  	[spmem:s25] =	stream.linear.scatter [tilespmem:s7], [sflag:$0x1], $0x800, $0x38;
	[tilespmem:$0x4180] =	vst v63  }
0x39: {  	_ =	swait.ge [sflag:s16], $0x800  }
0x3a: {  	[sflag:s16] =	ssyncset.done $0x0  }
0x3b: {  	s7 =	simm.s32 @!p0 $0x1900;
	s1 =	rddreg [dreg:$0xa];
	[sflag:s16] =	ssyncadd.s32 $0xFFFFF800  }
0x3c: {  	[spmem:s1] =	stream.linear.scatter @!p0 [tilespmem:s7], [sflag:$0x1], $0x800, $0x38;
	[tilespmem:$0x4180] =	vst v63  }
0x3d: {  	s7 =	simm.s32 @!p0 $0x1  }
0x3e: {  	_ =	swait.ge @!p0 [sflag:s7], $0x800  }
0x3f: {  	[sflag:s7] =	ssyncset.done @!p0 $0x0  }
0x40: {  	[sflag:s7] =	ssyncadd.s32 @!p0 $0xFFFFF800  }
0x41: {  	s13 =	simm.s32 $0x0;
	s15 =	simm.s32 $0x0;
	[bflag:$0x0] =	sbarrier.arrive $0xFFFF  }
.LBB2_4:
0x42: {  	s7 =	sshll.u32 s15, $0x10  }
0x43: {  	s11 =	sor.u32 s12, s7  }
0x44: {  	p1 =	slt.s32 s11, $0xF3A40;
	s17 =	smov.u32 s11  }
0x45: {  	s17 =	simm.s32 @!p1 $0xF3A40  }
0x46: {  	s1 =	rddreg [dreg:$0x1];
	s25 =	sshrl.u32 s17, $0x3  }
0x47: {  	s7 =	simm.s32 $0x80;
	s1 =	sadd.s32 s1, s25  }
0x48: {  	[tilespmem:s7], [sflag:$0x1] =	stream.linear.gather [hbm4b:s1+s13], $0x800, $0x38;
	[tilespmem:$0x4180] =	vst v63  }
0x49: {  	_ =	swait.ge [sflag:s16], $0x800  }
0x4a: {  	[sflag:s16] =	ssyncset.done $0x0  }
0x4b: {  	s1 =	sadd.s32 s3, s25;
	s25 =	simm.s32 $0x880;
	[sflag:s16] =	ssyncadd.s32 $0xFFFFF800  }
0x4c: {  	[tilespmem:s25], [sflag:$0x1] =	stream.linear.gather [hbm4b:s1+s13], $0x800, $0x38;
	[tilespmem:$0x4180] =	vst v63  }
0x4d: {  	_ =	swait.ge [sflag:s16], $0x800  }
0x4e: {  	[sflag:s16] =	ssyncset.done $0x0  }
0x4f: {  	[sflag:s16] =	ssyncadd.s32 $0xFFFFF800  }
0x50: {  	v3 =	vld [tilespmem:s7+$0x0];
	_ =	sdelay $0x6  }
0x51: {  	v4 =	vld [tilespmem:s25+$0x0]  }
0x52: {  	v5 =	vld.idx.msk [tilespmem:v3+s6+$0x0], $0xffff;
	_ =	sdelay $0x2  }
0x53: {  	s17 =	ssub.s32 s11, s17  }
0x54: {  	v6 =	vor.u32 s13, v2;
	v4 =	vshll.u32 v4, $0x7;
	v3 =	vmov s17  }
0x55: {  	vm0 =	vlt.s32 v6, v3;
	v4 =	vor.u32 v5, v4  }
0x56: {  	s11 =	sand.u32 $0x7F0, s13;
	s17 =	simm.s32 $0x10;
	v4 =	vsel vm0, $0x20000, v4  }
.LBB2_5:
0x57: {  	p1 =	sne.s32 s17, $0x7F0;
	[tilespmem:s11+$0x1080] =	vst v4;
	s7 =	sadd.s32 $0x10, s7;
	s25 =	sadd.s32 $0x10, s25  }
0x58: {  	s1 =	smov.u32 s17;
	s17 =	sadd.s32 $0x10, s17;
	v4 =	vld [tilespmem:s7+$0x0];
	_ =	sdelay $0x6  }
0x59: {  	v5 =	vld [tilespmem:s25+$0x0]  }
0x5a: {  	v4 =	vld.idx.msk [tilespmem:v4+s6+$0x0], $0xffff;
	_ =	sdelay $0x2  }
.Ltmp1:
0x5b: {  	(pc) =	sbr.rel @p1 .LBB2_5-.Ltmp1, $4  }
0x5c: {  	_ = 	snop  }
0x5d: {  	v6 =	vor.u32 s1, v2;
	v5 =	vshll.u32 v5, $0x7  }
0x5e: {  	vm0 =	vlt.s32 v6, v3;
	v4 =	vor.u32 v4, v5  }
0x5f: {  	s11 =	sand.u32 $0x7F0, s1;
	v4 =	vsel vm0, $0x20000, v4  }
0x60: {  	[tilespmem:s11+$0x1080] =	vst v4  }
0x61: {  	[spmem:s4] =	stream.indirect.scatter.add.f32 [tilespmem:s20], [sflag:$0x1], $0x1, s19, s18, $0xb8;
	[tilespmem:$0x4180] =	vst v63  }
0x62: {  	_ =	swait.ge [sflag:s16], $0x80  }
0x63: {  	[sflag:s16] =	ssyncset.done $0x0  }
0x64: {  	[sflag:s16] =	ssyncadd.s32 $0xFFFFFF80  }
0x65: {  	[spmem:s4] =	stream.indirect.scatter.add.f32 [tilespmem:s20], [sflag:$0x1], $0x1, s21, s18, $0xb8;
	[tilespmem:$0x4180] =	vst v63  }
0x66: {  	_ =	swait.ge [sflag:s16], $0x80  }
0x67: {  	[sflag:s16] =	ssyncset.done $0x0  }
0x68: {  	[sflag:s16] =	ssyncadd.s32 $0xFFFFFF80  }
0x69: {  	[spmem:s4] =	stream.indirect.scatter.add.f32 [tilespmem:s20], [sflag:$0x1], $0x1, s22, s18, $0xb8;
	[tilespmem:$0x4180] =	vst v63  }
0x6a: {  	_ =	swait.ge [sflag:s16], $0x80  }
0x6b: {  	[sflag:s16] =	ssyncset.done $0x0  }
0x6c: {  	[sflag:s16] =	ssyncadd.s32 $0xFFFFFF80  }
0x6d: {  	[spmem:s4] =	stream.indirect.scatter.add.f32 [tilespmem:s20], [sflag:$0x1], $0x1, s23, s18, $0xb8;
	[tilespmem:$0x4180] =	vst v63  }
0x6e: {  	_ =	swait.ge [sflag:s16], $0x80  }
0x6f: {  	[sflag:s16] =	ssyncset.done $0x0  }
0x70: {  	[sflag:s16] =	ssyncadd.s32 $0xFFFFFF80  }
0x71: {  	[spmem:s4] =	stream.indirect.scatter.add.f32 [tilespmem:s20], [sflag:$0x1], $0x1, s24, s18, $0xb8;
	[tilespmem:$0x4180] =	vst v63  }
0x72: {  	_ =	swait.ge [sflag:s16], $0x80  }
0x73: {  	[sflag:s16] =	ssyncset.done $0x0  }
0x74: {  	[sflag:s16] =	ssyncadd.s32 $0xFFFFFF80  }
0x75: {  	[spmem:s4] =	stream.indirect.scatter.add.f32 [tilespmem:s20], [sflag:$0x1], $0x1, s26, s18, $0xb8;
	[tilespmem:$0x4180] =	vst v63  }
0x76: {  	_ =	swait.ge [sflag:s16], $0x80  }
0x77: {  	[sflag:s16] =	ssyncset.done $0x0  }
0x78: {  	[sflag:s16] =	ssyncadd.s32 $0xFFFFFF80  }
0x79: {  	[spmem:s4] =	stream.indirect.scatter.add.f32 [tilespmem:s20], [sflag:$0x1], $0x1, s28, s18, $0xb8;
	[tilespmem:$0x4180] =	vst v63  }
0x7a: {  	_ =	swait.ge [sflag:s16], $0x80  }
0x7b: {  	[sflag:s16] =	ssyncset.done $0x0  }
0x7c: {  	[sflag:s16] =	ssyncadd.s32 $0xFFFFFF80  }
0x7d: {  	[spmem:s4] =	stream.indirect.scatter.add.f32 [tilespmem:s20], [sflag:$0x1], $0x1, s29, s18, $0xb8;
	[tilespmem:$0x4180] =	vst v63  }
0x7e: {  	_ =	swait.ge [sflag:s16], $0x80  }
0x7f: {  	[sflag:s16] =	ssyncset.done $0x0  }
0x80: {  	[sflag:s16] =	ssyncadd.s32 $0xFFFFFF80  }
0x81: {  	[spmem:s4] =	stream.indirect.scatter.add.f32 [tilespmem:s20], [sflag:$0x1], $0x1, s30, s18, $0xb8;
	[tilespmem:$0x4180] =	vst v63  }
0x82: {  	_ =	swait.ge [sflag:s16], $0x80  }
0x83: {  	[sflag:s16] =	ssyncset.done $0x0  }
0x84: {  	[sflag:s16] =	ssyncadd.s32 $0xFFFFFF80  }
0x85: {  	[spmem:s4] =	stream.indirect.scatter.add.f32 [tilespmem:s20], [sflag:$0x1], $0x1, s31, s18, $0xb8;
	[tilespmem:$0x4180] =	vst v63  }
0x86: {  	_ =	swait.ge [sflag:s16], $0x80  }
0x87: {  	[sflag:s16] =	ssyncset.done $0x0  }
0x88: {  	[sflag:s16] =	ssyncadd.s32 $0xFFFFFF80  }
0x89: {  	[spmem:s4] =	stream.indirect.scatter.add.f32 [tilespmem:s20], [sflag:$0x1], $0x1, s2, s18, $0xb8;
	[tilespmem:$0x4180] =	vst v63  }
0x8a: {  	_ =	swait.ge [sflag:s16], $0x80  }
0x8b: {  	[sflag:s16] =	ssyncset.done $0x0  }
0x8c: {  	[sflag:s16] =	ssyncadd.s32 $0xFFFFFF80  }
0x8d: {  	[spmem:s4] =	stream.indirect.scatter.add.f32 [tilespmem:s20], [sflag:$0x1], $0x1, s0, s18, $0xb8;
	[tilespmem:$0x4180] =	vst v63  }
0x8e: {  	_ =	swait.ge [sflag:s16], $0x80  }
0x8f: {  	[sflag:s16] =	ssyncset.done $0x0  }
0x90: {  	[sflag:s16] =	ssyncadd.s32 $0xFFFFFF80  }
0x91: {  	[spmem:s4] =	stream.indirect.scatter.add.f32 [tilespmem:s20], [sflag:$0x1], $0x1, s5, s18, $0xb8;
	[tilespmem:$0x4180] =	vst v63  }
0x92: {  	_ =	swait.ge [sflag:s16], $0x80  }
0x93: {  	[sflag:s16] =	ssyncset.done $0x0  }
0x94: {  	[sflag:s16] =	ssyncadd.s32 $0xFFFFFF80  }
0x95: {  	[spmem:s4] =	stream.indirect.scatter.add.f32 [tilespmem:s20], [sflag:$0x1], $0x1, s8, s18, $0xb8;
	[tilespmem:$0x4180] =	vst v63  }
0x96: {  	_ =	swait.ge [sflag:s16], $0x80  }
0x97: {  	[sflag:s16] =	ssyncset.done $0x0  }
0x98: {  	[sflag:s16] =	ssyncadd.s32 $0xFFFFFF80  }
0x99: {  	[spmem:s4] =	stream.indirect.scatter.add.f32 [tilespmem:s20], [sflag:$0x1], $0x1, s9, s18, $0xb8;
	[tilespmem:$0x4180] =	vst v63  }
0x9a: {  	_ =	swait.ge [sflag:s16], $0x80  }
0x9b: {  	p1 =	sne.s32 s15, s14;
	[sflag:s16] =	ssyncset.done $0x0  }
.Ltmp2:
0x9c: {  	[sflag:s16] =	ssyncadd.s32 $0xFFFFFF80;
	(pc) =	sbr.rel @p1 .LBB2_4-.Ltmp2, $4  }
0x9d: {  	[spmem:s4] =	stream.indirect.scatter.add.f32 [tilespmem:s20], [sflag:$0x1], $0x1, s10, s18, $0xb8;
	[tilespmem:$0x4180] =	vst v63  }
0x9e: {  	_ =	swait.ge [sflag:s16], $0x80  }
0x9f: {  	s1 =	sadd.s32 $0x1, s15;
	[sflag:s16] =	ssyncset.done $0x0  }
0xa0: {  	s15 =	smov.u32 s1;
	[sflag:s16] =	ssyncadd.s32 $0xFFFFFF80  }
0xa1: {  	s1 =	stileid.u32;
	[bflag:$0x0] =	sbarrier.arrive $0xFFFF  }
0xa2: {  	s1 =	sshll.u32 s1, $0x6;
	s7 =	rddreg [dreg:$0xb]  }
0xa3: {  	s13 =	simm.s32 $0x10;
	s11 =	rddreg [dreg:$0xd];
	s1 =	sor.u32 $0x1C01, s1  }
0xa4: {  	[hbm:s7@s18], [sflag:s1] =	dma.strided [spmem:s11@s13], $0x400, s16, $0x10   }
0xa5: {  	_ =	swait.ge [sflag:s16], $0x400  }
0xa6: {  	s17 =	rddreg [dreg:$0xe]  }
0xa7: {  	s25 =	rddreg [dreg:$0xc];
	s7 =	sadd.s32 $0x1, s17  }
0xa8: {  	p1 =	sne.s32 s7, s25  }
.Ltmp3:
0xa9: {  	_ = 	snop;
	(pc) =	sbr.rel @p1 .LBB2_1-.Ltmp3, $3  }
0xaa: {  	_ =	sdelay $0x1  }
0xab: {  	[sflag:s16] =	ssyncset.done $0x0  }
0xac: {  	[sflag:s16] =	ssyncadd.s32 $0xFFFFFC00  }
0xad: {  	_ =	sfence.sel $0x180000  }
0xae: {  	[bflag:$0x0] =	sbarrier.arrive $0xFFFF  }
0xaf: {  	_ =	strace $0x90000047  }
0xb0: {  	[bflag:$0x2] =	sbarrier.arrive $0xFFFF  }
0xb1: {  	s0 =	rddreg [dreg:$0x5]  }
0xb2: {  	s0 =	sadd.s32 @!p0 $0x100000, s0  }
0xb3: {  	[sflag:s0] =	ssyncadd.tile.s32 @!p0 $0x1;
	_ =	shalt  }
.Lfunc_end2:
_tile_overlayer_lowered:
.L_overlay_start_2:
0xb4: {  	(tag) =	ssettag $0x2  }
0xb5: {  	s0 =	rddreg [dreg:$0x0];
	s2 =	stileid.u32  }
0xb6: {  	s1 =	rddreg [dreg:$0x1];
	p0 =	sne.s32 s2, $0x0  }
0xb7: {  	s3 =	rddreg [dreg:$0x2];
	[bflag:$0x3] =	sbarrier.arrive $0xFFFF;
	s2 =	simm.s32 @!p0 $0x1C01  }
0xb8: {  	[timem:s3], [sflag:s2] =	dma.local @!p0 [hbm:s0], s1  }
0xb9: {  	s0 =	simm.s32 @!p0 $0x1  }
0xba: {  	_ =	swait.ge @!p0 [sflag:s0], s1  }
0xbb: {  	s1 =	ssub.s32 @!p0 $0x0, s1;
	[sflag:s0] =	ssyncset.done @!p0 $0x0  }
0xbc: {  	[sflag:s0] =	ssyncadd.s32 @!p0 s1  }
0xbd: {  	[bflag:$0x3] =	sbarrier.arrive $0xFFFF  }
0xbe: {  	_ =	shalt  }

</sc_bundles>
